<compile_context>
chip_gen: v7x
topology: tpu7x:2x2x1
jax: 0.10.2.dev20260603
libtpu: 0.0.44.dev20260713+nightly
codegen_flags: <defaults>
</compile_context>

<pallas_src>
import functools

import jax
import jax.numpy as jnp
from jax import lax
from jax.experimental import pallas as pl
from jax.experimental.pallas import tpu as pltpu
from jax.experimental.pallas import tpu_sc as plsc

_E = 64
_TOPK = 2
_TILE = 128


def _router_body(x_ref, rw_ref, idx_ref, w_ref):
    x = x_ref[...]
    rw = rw_ref[...]
    logits = lax.dot_general(
        x, rw, (((1,), (1,)), ((), ())), preferred_element_type=jnp.float32
    )
    e = logits.shape[1]
    iota = lax.broadcasted_iota(jnp.int32, logits.shape, 1)
    m1 = jnp.max(logits, axis=1, keepdims=True)
    a1 = jnp.min(jnp.where(logits == m1, iota, e), axis=1, keepdims=True)
    masked = jnp.where(iota == a1, -jnp.inf, logits)
    m2 = jnp.max(masked, axis=1, keepdims=True)
    a2 = jnp.min(jnp.where(masked == m2, iota, e), axis=1, keepdims=True)
    w1 = jax.nn.sigmoid(m1 - m2)
    idx_ref[...] = jnp.concatenate([a1, a2], axis=1)
    w_ref[...] = jnp.concatenate([w1, 1.0 - w1], axis=1)


def _route(flat, router_w):
    n, d = flat.shape
    bt = 1024
    grid = n // bt
    idxs, ws = pl.pallas_call(
        _router_body,
        grid=(grid,),
        in_specs=[
            pl.BlockSpec((bt, d), lambda i: (i, 0)),
            pl.BlockSpec((_E, d), lambda i: (0, 0)),
        ],
        out_specs=[
            pl.BlockSpec((bt, _TOPK), lambda i: (i, 0)),
            pl.BlockSpec((bt, _TOPK), lambda i: (i, 0)),
        ],
        out_shape=[
            jax.ShapeDtypeStruct((n, _TOPK), jnp.int32),
            jax.ShapeDtypeStruct((n, _TOPK), jnp.float32),
        ],
    )(flat, router_w)
    return idxs, ws


def _ffn_body(te_ref, sel_ref, act_ref, x_ref, gu_ref, dn_ref, y_ref):
    del te_ref, sel_ref

    @pl.when(act_ref[pl.program_id(0)] > 0)
    def _():
        x = x_ref[...].astype(jnp.bfloat16)
        gu_w = gu_ref[0].astype(jnp.bfloat16)
        dn_w = dn_ref[0].astype(jnp.bfloat16)
        gu = lax.dot_general(
            x, gu_w, (((1,), (1,)), ((), ())), preferred_element_type=jnp.float32
        )
        dff = gu.shape[1] // 2
        gate = gu[:, :dff]
        up = gu[:, dff:]
        h = (gate * jax.nn.sigmoid(gate) * up).astype(jnp.bfloat16)
        y = lax.dot_general(
            h, dn_w, (((1,), (1,)), ((), ())), preferred_element_type=jnp.float32
        )
        y_ref[...] = y


def _grouped_ffn(x_sorted, gate_up_proj, down_proj, tile_expert, tile_sel,
                 tile_active):
    cap, d = x_sorted.shape
    ntiles = cap // _TILE
    dff2 = gate_up_proj.shape[1]
    dff = down_proj.shape[2]
    grid_spec = pltpu.PrefetchScalarGridSpec(
        num_scalar_prefetch=3,
        grid=(ntiles,),
        in_specs=[
            pl.BlockSpec((_TILE, d), lambda t, te, sel, act: (sel[t], 0)),
            pl.BlockSpec((1, dff2, d), lambda t, te, sel, act: (te[t], 0, 0)),
            pl.BlockSpec((1, d, dff), lambda t, te, sel, act: (te[t], 0, 0)),
        ],
        out_specs=pl.BlockSpec((_TILE, d), lambda t, te, sel, act: (sel[t], 0)),
    )
    return pl.pallas_call(
        _ffn_body,
        grid_spec=grid_spec,
        out_shape=jax.ShapeDtypeStruct((cap, d), jnp.float32),
    )(tile_expert, tile_sel, tile_active, x_sorted, gate_up_proj, down_proj)


def _sc_combine(y, p0, p1, w0, w1):
    n = p0.shape[0]
    d = y.shape[1]
    info = plsc.get_sparse_core_info()
    nw = info.num_cores * info.num_subcores
    per_w = n // nw
    chunk = 16
    nch = per_w // chunk
    mesh = plsc.VectorSubcoreMesh(core_axis_name="c", subcore_axis_name="s")

    @functools.partial(
        pl.kernel,
        mesh=mesh,
        out_type=jax.ShapeDtypeStruct((n, d), jnp.float32),
        scratch_types=[
            pltpu.VMEM((per_w,), jnp.int32),
            pltpu.VMEM((per_w,), jnp.int32),
            pltpu.VMEM((per_w, 16), jnp.float32),
            pltpu.VMEM((per_w, 16), jnp.float32),
            pltpu.VMEM((chunk, d), jnp.float32),
            pltpu.VMEM((chunk, d), jnp.float32),
            pltpu.SemaphoreType.DMA,
            pltpu.SemaphoreType.DMA,
        ],
    )
    def k(y_hbm, p0_hbm, p1_hbm, w0_hbm, w1_hbm, out_hbm,
          i0v, i1v, w0s, w1s, b0, b1, sem0, sem1):
        wid = lax.axis_index("s") * info.num_cores + lax.axis_index("c")
        base = wid * per_w
        pltpu.sync_copy(p0_hbm.at[pl.ds(base, per_w)], i0v)
        pltpu.sync_copy(p1_hbm.at[pl.ds(base, per_w)], i1v)
        pltpu.sync_copy(w0_hbm.at[pl.ds(base, per_w)], w0s)
        pltpu.sync_copy(w1_hbm.at[pl.ds(base, per_w)], w1s)

        def do_chunk(c, carry):
            cp0 = pltpu.async_copy(
                y_hbm.at[i0v.at[pl.ds(c * chunk, chunk)]], b0, sem0)
            cp1 = pltpu.async_copy(
                y_hbm.at[i1v.at[pl.ds(c * chunk, chunk)]], b1, sem1)
            cp0.wait()
            cp1.wait()

            def do_row(r, rc):
                a = w0s[c * chunk + r, :]
                bb = w1s[c * chunk + r, :]
                for kk in range(d // 16):
                    sl = pl.ds(kk * 16, 16)
                    b0[r, sl] = a * b0[r, sl] + bb * b1[r, sl]
                return rc

            lax.fori_loop(0, chunk, do_row, 0)
            pltpu.sync_copy(b0, out_hbm.at[pl.ds(base + c * chunk, chunk)])
            return carry

        lax.fori_loop(0, nch, do_chunk, 0)

    return k(y, p0, p1, w0, w1)


def kernel(hidden_states, gate_up_proj, down_proj, router_w):
    b, s, d = hidden_states.shape
    n = b * s
    npairs = n * _TOPK
    cap = npairs + _E * _TILE
    ntiles = cap // _TILE
    flat = hidden_states.reshape(n, d)

    idxs, ws = _route(flat, router_w)

    e_flat = idxs.reshape(-1)
    gl = 128
    ng = npairs // gl
    eg = e_flat.reshape(ng, gl)
    oh = (eg[:, :, None] == jnp.arange(_E, dtype=jnp.int32)[None, None, :]
          ).astype(jnp.float32)
    ri = jnp.arange(gl, dtype=jnp.int32)
    lt_incl = (ri[:, None] >= ri[None, :]).astype(jnp.float32)
    within = jnp.einsum("rl,gle->gre", lt_incl, oh,
                        preferred_element_type=jnp.float32)
    gsum = within[:, -1, :]
    gi = jnp.arange(ng, dtype=jnp.int32)
    lt_strict = (gi[:, None] > gi[None, :]).astype(jnp.float32)
    goff = jnp.einsum("hg,ge->he", lt_strict, gsum,
                      preferred_element_type=jnp.float32)
    counts = (goff[-1] + gsum[-1]).astype(jnp.int32)
    rank_f = (within + goff[:, None, :]).reshape(npairs, _E)
    rank = jnp.take_along_axis(rank_f, e_flat[:, None], axis=1)[:, 0]
    rank = rank.astype(jnp.int32) - 1
    pad_counts = ((counts + _TILE - 1) // _TILE) * _TILE
    pad_cum = jnp.cumsum(pad_counts)
    pad_off = pad_cum - pad_counts
    total = pad_cum[-1]
    pos_pair = pad_off[e_flat] + rank
    src_token = jnp.zeros(cap, jnp.int32).at[pos_pair].set(
        jnp.arange(npairs, dtype=jnp.int32) // _TOPK)
    r0 = jnp.arange(ntiles, dtype=jnp.int32) * _TILE
    te_raw = jnp.sum((r0[:, None] >= pad_cum[None, :]).astype(jnp.int32), axis=1)
    active = (r0 < total).astype(jnp.int32)
    last_tile = total // _TILE - 1
    e_last = te_raw[last_tile]
    tile_expert = jnp.where(active > 0, te_raw, e_last)
    tile_sel = jnp.where(active > 0, jnp.arange(ntiles, dtype=jnp.int32),
                         last_tile)

    x_sorted = flat[src_token]

    y = _grouped_ffn(x_sorted, gate_up_proj, down_proj, tile_expert, tile_sel,
                     active)

    pp = pos_pair.reshape(n, _TOPK)
    w0b = jnp.broadcast_to(ws[:, 0:1], (n, 16))
    w1b = jnp.broadcast_to(ws[:, 1:2], (n, 16))
    out = _sc_combine(y, pp[:, 0], pp[:, 1], w0b, w1b)
    return out.reshape(b, s, d)

# --- scband reference (transcript-rebuilt; emitter-appended) ---
"""Pipeline reference for scband-profiling-hybrid-mo-ewrapper-85993835200648 (READ-ONLY COPY).

The authoritative reference and input builder live on the scoring server;
editing this copy changes nothing except your own understanding.
"""

import jax, jax.numpy as jnp
import numpy as np

E = 64
TOPK = 2
D = 1024
DFF = 512
B = 4
S = 2048


def setup_inputs(seed: int = 0) -> dict:
    key = jax.random.key(seed)
    k1, k2, k3, k4 = jax.random.split(key, 4)
    hidden_states = jax.random.normal(k1, (B, S, D), dtype=jnp.float32)
    # expert weights: gate_up_proj [E, 2*DFF, D], down_proj [E, D, DFF]
    gate_up_proj = jax.random.normal(k2, (E, 2 * DFF, D), dtype=jnp.float32) * 0.02
    down_proj = jax.random.normal(k3, (E, D, DFF), dtype=jnp.float32) * 0.02
    router_w = jax.random.normal(k4, (E, D), dtype=jnp.float32) * 0.02
    return {
        "hidden_states": hidden_states,
        "gate_up_proj": gate_up_proj,
        "down_proj": down_proj,
        "router_w": router_w,
    }


def reference(hidden_states, gate_up_proj, down_proj, router_w):
    # Single-process equivalent of ProfilingHybridMoEWrapper.forward:
    # hub experts and specialized experts all execute the same SwiGLU FFN math;
    # the all-to-all dispatch is an identity on one rank, so we compute every
    # selected (token, expert) pair locally and scatter-add weighted outputs.
    Bs, Ss, Dh = hidden_states.shape
    flat = hidden_states.reshape(-1, Dh)
    # gate: router logits -> softmax probs -> top-k routing weights (renormalized)
    logits = flat @ router_w.T
    probs = jax.nn.softmax(logits, axis=-1)
    w, idx = jax.lax.top_k(probs, TOPK)
    w = w / jnp.sum(w, axis=-1, keepdims=True)
    num_experts = gate_up_proj.shape[0]

    def body(e, out):
        sel = (idx == e).astype(jnp.float32)
        we = jnp.sum(w * sel, axis=-1)
        gu = flat @ gate_up_proj[e].T
        gate, up = jnp.split(gu, 2, axis=-1)
        h = jax.nn.silu(gate) * up
        oe = h @ down_proj[e].T
        return out + oe * we[:, None]

    out = jax.lax.fori_loop(0, num_experts, body, jnp.zeros_like(flat))
    return out.reshape(Bs, Ss, Dh)

if __name__ == "__main__":
    import jax
    _d = setup_inputs()
    print(jax.jit(kernel)(*tuple(_d.values())))

</pallas_src>

<mosaic_0001>
#map = affine_map<(d0, d1) -> (0, 0)>
#map1 = affine_map<(d0, d1) -> (0)>
module attributes {stable_mosaic.version = 14 : i64} {
  func.func @k(%arg0: i32, %arg1: i32, %arg2: memref<24576x1024xf32, #tpu.memory_space<hbm>>, %arg3: memref<8192xi32, #tpu.memory_space<hbm>>, %arg4: memref<8192xi32, #tpu.memory_space<hbm>>, %arg5: memref<8192x16xf32, #tpu.memory_space<hbm>>, %arg6: memref<8192x16xf32, #tpu.memory_space<hbm>>, %arg7: memref<8192x1024xf32, #tpu.memory_space<hbm>>, %arg8: memref<256xi32, #tpu.memory_space<vmem>>, %arg9: memref<256xi32, #tpu.memory_space<vmem>>, %arg10: memref<256x16xf32, #tpu.memory_space<vmem>>, %arg11: memref<256x16xf32, #tpu.memory_space<vmem>>, %arg12: memref<16x1024xf32, #tpu.memory_space<vmem>>, %arg13: memref<16x1024xf32, #tpu.memory_space<vmem>>, %arg14: memref<!tpu.dma_semaphore, #tpu.memory_space<semaphore_mem>>, %arg15: memref<!tpu.dma_semaphore, #tpu.memory_space<semaphore_mem>>) attributes {dimension_semantics = [#tpu.dimension_semantics<core_parallel>, #tpu.dimension_semantics<subcore_parallel>], iteration_bounds = array<i64: 2, 16>, scalar_prefetch = 0 : i64, scratch_operands = 8 : i64, tpu.core_type = #tpu.core_type<sc_vector_subcore>, window_params = [{transform_indices = #map}, {transform_indices = #map1}, {transform_indices = #map1}, {transform_indices = #map}, {transform_indices = #map}, {transform_indices = #map}]} {
    %mul3A = arith.constant 2 : i32
    %mul3A_0 = arith.muli %arg1, %mul3A : i32
    %add3A = arith.addi %mul3A_0, %arg0 : i32
    %mul3A_1 = arith.constant 256 : i32
    %mul3A_2 = arith.muli %add3A, %mul3A_1 : i32
    "tpu.region"() ({
      %run_scoped3A = tpu.sem_alloc : memref<!tpu.dma_semaphore, #tpu.memory_space<semaphore_mem>>
      %dma_start3A = tpu.memref_slice %arg3[%mul3A_2] : memref<8192xi32, #tpu.memory_space<hbm>> -> memref<256xi32, #tpu.memory_space<hbm>>
      %dma_start3A_8 = tpu.memref_slice %arg3[%mul3A_2] : memref<8192xi32, #tpu.memory_space<hbm>> -> memref<256xi32, #tpu.memory_space<hbm>>
      tpu.enqueue_dma source(%dma_start3A_8 : memref<256xi32, #tpu.memory_space<hbm>>) target(%arg8 : memref<256xi32, #tpu.memory_space<vmem>>) target_semaphore(%run_scoped3A : memref<!tpu.dma_semaphore, #tpu.memory_space<semaphore_mem>>)
      %dma_wait3A = tpu.memref_slice %arg3[%mul3A_2] : memref<8192xi32, #tpu.memory_space<hbm>> -> memref<256xi32, #tpu.memory_space<hbm>>
      %dma_wait3A_9 = tpu.memref_slice %arg3[%mul3A_2] : memref<8192xi32, #tpu.memory_space<hbm>> -> memref<256xi32, #tpu.memory_space<hbm>>
      tpu.wait_dma2 semaphore(%run_scoped3A : memref<!tpu.dma_semaphore, #tpu.memory_space<semaphore_mem>>) src(%dma_wait3A_9 : memref<256xi32, #tpu.memory_space<hbm>>) dst(%arg8 : memref<256xi32, #tpu.memory_space<vmem>>)
      tpu.yield
    }) : () -> ()
    "tpu.region"() ({
      %run_scoped3A = tpu.sem_alloc : memref<!tpu.dma_semaphore, #tpu.memory_space<semaphore_mem>>
      %dma_start3A = tpu.memref_slice %arg4[%mul3A_2] : memref<8192xi32, #tpu.memory_space<hbm>> -> memref<256xi32, #tpu.memory_space<hbm>>
      %dma_start3A_8 = tpu.memref_slice %arg4[%mul3A_2] : memref<8192xi32, #tpu.memory_space<hbm>> -> memref<256xi32, #tpu.memory_space<hbm>>
      tpu.enqueue_dma source(%dma_start3A_8 : memref<256xi32, #tpu.memory_space<hbm>>) target(%arg9 : memref<256xi32, #tpu.memory_space<vmem>>) target_semaphore(%run_scoped3A : memref<!tpu.dma_semaphore, #tpu.memory_space<semaphore_mem>>)
      %dma_wait3A = tpu.memref_slice %arg4[%mul3A_2] : memref<8192xi32, #tpu.memory_space<hbm>> -> memref<256xi32, #tpu.memory_space<hbm>>
      %dma_wait3A_9 = tpu.memref_slice %arg4[%mul3A_2] : memref<8192xi32, #tpu.memory_space<hbm>> -> memref<256xi32, #tpu.memory_space<hbm>>
      tpu.wait_dma2 semaphore(%run_scoped3A : memref<!tpu.dma_semaphore, #tpu.memory_space<semaphore_mem>>) src(%dma_wait3A_9 : memref<256xi32, #tpu.memory_space<hbm>>) dst(%arg9 : memref<256xi32, #tpu.memory_space<vmem>>)
      tpu.yield
    }) : () -> ()
    "tpu.region"() ({
      %run_scoped3A = tpu.sem_alloc : memref<!tpu.dma_semaphore, #tpu.memory_space<semaphore_mem>>
      %dma_start3A = arith.constant 0 : i32
      %dma_start3A_8 = tpu.memref_slice %arg5[%mul3A_2, %dma_start3A] : memref<8192x16xf32, #tpu.memory_space<hbm>> -> memref<256x16xf32, #tpu.memory_space<hbm>>
      %dma_start3A_9 = arith.constant 0 : i32
      %dma_start3A_10 = tpu.memref_slice %arg5[%mul3A_2, %dma_start3A_9] : memref<8192x16xf32, #tpu.memory_space<hbm>> -> memref<256x16xf32, #tpu.memory_space<hbm>>
      tpu.enqueue_dma source(%dma_start3A_10 : memref<256x16xf32, #tpu.memory_space<hbm>>) target(%arg10 : memref<256x16xf32, #tpu.memory_space<vmem>>) target_semaphore(%run_scoped3A : memref<!tpu.dma_semaphore, #tpu.memory_space<semaphore_mem>>)
      %dma_wait3A = arith.constant 0 : i32
      %dma_wait3A_11 = tpu.memref_slice %arg5[%mul3A_2, %dma_wait3A] : memref<8192x16xf32, #tpu.memory_space<hbm>> -> memref<256x16xf32, #tpu.memory_space<hbm>>
      %dma_wait3A_12 = arith.constant 0 : i32
      %dma_wait3A_13 = tpu.memref_slice %arg5[%mul3A_2, %dma_wait3A_12] : memref<8192x16xf32, #tpu.memory_space<hbm>> -> memref<256x16xf32, #tpu.memory_space<hbm>>
      tpu.wait_dma2 semaphore(%run_scoped3A : memref<!tpu.dma_semaphore, #tpu.memory_space<semaphore_mem>>) src(%dma_wait3A_13 : memref<256x16xf32, #tpu.memory_space<hbm>>) dst(%arg10 : memref<256x16xf32, #tpu.memory_space<vmem>>)
      tpu.yield
    }) : () -> ()
    "tpu.region"() ({
      %run_scoped3A = tpu.sem_alloc : memref<!tpu.dma_semaphore, #tpu.memory_space<semaphore_mem>>
      %dma_start3A = arith.constant 0 : i32
      %dma_start3A_8 = tpu.memref_slice %arg6[%mul3A_2, %dma_start3A] : memref<8192x16xf32, #tpu.memory_space<hbm>> -> memref<256x16xf32, #tpu.memory_space<hbm>>
      %dma_start3A_9 = arith.constant 0 : i32
      %dma_start3A_10 = tpu.memref_slice %arg6[%mul3A_2, %dma_start3A_9] : memref<8192x16xf32, #tpu.memory_space<hbm>> -> memref<256x16xf32, #tpu.memory_space<hbm>>
      tpu.enqueue_dma source(%dma_start3A_10 : memref<256x16xf32, #tpu.memory_space<hbm>>) target(%arg11 : memref<256x16xf32, #tpu.memory_space<vmem>>) target_semaphore(%run_scoped3A : memref<!tpu.dma_semaphore, #tpu.memory_space<semaphore_mem>>)
      %dma_wait3A = arith.constant 0 : i32
      %dma_wait3A_11 = tpu.memref_slice %arg6[%mul3A_2, %dma_wait3A] : memref<8192x16xf32, #tpu.memory_space<hbm>> -> memref<256x16xf32, #tpu.memory_space<hbm>>
      %dma_wait3A_12 = arith.constant 0 : i32
      %dma_wait3A_13 = tpu.memref_slice %arg6[%mul3A_2, %dma_wait3A_12] : memref<8192x16xf32, #tpu.memory_space<hbm>> -> memref<256x16xf32, #tpu.memory_space<hbm>>
      tpu.wait_dma2 semaphore(%run_scoped3A : memref<!tpu.dma_semaphore, #tpu.memory_space<semaphore_mem>>) src(%dma_wait3A_13 : memref<256x16xf32, #tpu.memory_space<hbm>>) dst(%arg11 : memref<256x16xf32, #tpu.memory_space<vmem>>)
      tpu.yield
    }) : () -> ()
    %scan3A = arith.constant 0 : i32
    %scan3A_3 = arith.constant 0 : i32
    %scan3A_4 = arith.constant 16 : i32
    %scan3A_5 = arith.addi %scan3A_3, %scan3A_4 : i32
    %scan3A_6 = arith.constant 1 : i32
    scf.for %scan3A_8 = %scan3A_3 to %scan3A_5 step %scan3A_6  : i32 {
      %mul3A_9 = arith.constant 16 : i32
      %mul3A_10 = arith.muli %scan3A_8, %mul3A_9 : i32
      %dma_start3A = tpu.memref_slice %arg8[%mul3A_10] : memref<256xi32, #tpu.memory_space<vmem>> -> memref<16xi32, #tpu.memory_space<vmem>>
      %dma_start3A_11 = arith.constant 0 : i32
      %dma_start3A_12 = arith.constant 0 : i32
      %dma_start3A_13 = tpu.memref_slice %arg2[%dma_start3A_11, %dma_start3A_12] : memref<24576x1024xf32, #tpu.memory_space<hbm>> -> memref<24576x1024xf32, #tpu.memory_space<hbm>>
      tpu.enqueue_indirect_dma source(%dma_start3A_13 : memref<24576x1024xf32, #tpu.memory_space<hbm>>) target(%arg12 : memref<16x1024xf32, #tpu.memory_space<vmem>>) offsets(%dma_start3A : memref<16xi32, #tpu.memory_space<vmem>>) semaphore(%arg14 : memref<!tpu.dma_semaphore, #tpu.memory_space<semaphore_mem>>)
      %mul3A_14 = arith.constant 16 : i32
      %mul3A_15 = arith.muli %scan3A_8, %mul3A_14 : i32
      %dma_start3A_16 = tpu.memref_slice %arg9[%mul3A_15] : memref<256xi32, #tpu.memory_space<vmem>> -> memref<16xi32, #tpu.memory_space<vmem>>
      %dma_start3A_17 = arith.constant 0 : i32
      %dma_start3A_18 = arith.constant 0 : i32
      %dma_start3A_19 = tpu.memref_slice %arg2[%dma_start3A_17, %dma_start3A_18] : memref<24576x1024xf32, #tpu.memory_space<hbm>> -> memref<24576x1024xf32, #tpu.memory_space<hbm>>
      tpu.enqueue_indirect_dma source(%dma_start3A_19 : memref<24576x1024xf32, #tpu.memory_space<hbm>>) target(%arg13 : memref<16x1024xf32, #tpu.memory_space<vmem>>) offsets(%dma_start3A_16 : memref<16xi32, #tpu.memory_space<vmem>>) semaphore(%arg15 : memref<!tpu.dma_semaphore, #tpu.memory_space<semaphore_mem>>)
      %dma_wait3A = tpu.memref_slice %arg8[%mul3A_10] : memref<256xi32, #tpu.memory_space<vmem>> -> memref<16xi32, #tpu.memory_space<vmem>>
      %dma_wait3A_20 = arith.constant 0 : i32
      %dma_wait3A_21 = arith.constant 0 : i32
      %dma_wait3A_22 = tpu.memref_slice %arg2[%dma_wait3A_20, %dma_wait3A_21] : memref<24576x1024xf32, #tpu.memory_space<hbm>> -> memref<24576x1024xf32, #tpu.memory_space<hbm>>
      tpu.wait_indirect_dma semaphore(%arg14 : memref<!tpu.dma_semaphore, #tpu.memory_space<semaphore_mem>>) src(%dma_wait3A_22 : memref<24576x1024xf32, #tpu.memory_space<hbm>>) dst(%arg12 : memref<16x1024xf32, #tpu.memory_space<vmem>>)
      %dma_wait3A_23 = tpu.memref_slice %arg9[%mul3A_15] : memref<256xi32, #tpu.memory_space<vmem>> -> memref<16xi32, #tpu.memory_space<vmem>>
      %dma_wait3A_24 = arith.constant 0 : i32
      %dma_wait3A_25 = arith.constant 0 : i32
      %dma_wait3A_26 = tpu.memref_slice %arg2[%dma_wait3A_24, %dma_wait3A_25] : memref<24576x1024xf32, #tpu.memory_space<hbm>> -> memref<24576x1024xf32, #tpu.memory_space<hbm>>
      tpu.wait_indirect_dma semaphore(%arg15 : memref<!tpu.dma_semaphore, #tpu.memory_space<semaphore_mem>>) src(%dma_wait3A_26 : memref<24576x1024xf32, #tpu.memory_space<hbm>>) dst(%arg13 : memref<16x1024xf32, #tpu.memory_space<vmem>>)
      %scan3A_27 = arith.constant 0 : i32
      %scan3A_28 = arith.constant 0 : i32
      %scan3A_29 = arith.constant 16 : i32
      %scan3A_30 = arith.addi %scan3A_28, %scan3A_29 : i32
      %scan3A_31 = arith.constant 1 : i32
      scf.for %scan3A_36 = %scan3A_28 to %scan3A_30 step %scan3A_31  : i32 {
        %mul3A_37 = arith.constant 16 : i32
        %mul3A_38 = arith.muli %scan3A_8, %mul3A_37 : i32
        %add3A_39 = arith.addi %mul3A_38, %scan3A_36 : i32
        %get3A = arith.index_cast %add3A_39 : i32 to index
        %get3A_40 = arith.constant 0 : index
        %get3A_41 = tpu.vector_load %arg10[%get3A, %get3A_40] {strides = array<i32>} : memref<256x16xf32, #tpu.memory_space<vmem>>, vector<1x16xf32>,
        %get3A_42 = vector.shape_cast %get3A_41 : vector<1x16xf32> to vector<16xf32>
        %mul3A_43 = arith.constant 16 : i32
        %mul3A_44 = arith.muli %scan3A_8, %mul3A_43 : i32
        %add3A_45 = arith.addi %mul3A_44, %scan3A_36 : i32
        %get3A_46 = arith.index_cast %add3A_45 : i32 to index
        %get3A_47 = arith.constant 0 : index
        %get3A_48 = tpu.vector_load %arg11[%get3A_46, %get3A_47] {strides = array<i32>} : memref<256x16xf32, #tpu.memory_space<vmem>>, vector<1x16xf32>,
        %get3A_49 = vector.shape_cast %get3A_48 : vector<1x16xf32> to vector<16xf32>
        %get3A_50 = arith.index_cast %scan3A_36 : i32 to index
        %get3A_51 = arith.constant 0 : index
        %get3A_52 = tpu.vector_load %arg12[%get3A_50, %get3A_51] {strides = array<i32>} : memref<16x1024xf32, #tpu.memory_space<vmem>>, vector<1x16xf32>,
        %get3A_53 = vector.shape_cast %get3A_52 : vector<1x16xf32> to vector<16xf32>
        %mul3A_54 = arith.mulf %get3A_42, %get3A_53 : vector<16xf32>
        %get3A_55 = arith.index_cast %scan3A_36 : i32 to index
        %get3A_56 = arith.constant 0 : index
        %get3A_57 = tpu.vector_load %arg13[%get3A_55, %get3A_56] {strides = array<i32>} : memref<16x1024xf32, #tpu.memory_space<vmem>>, vector<1x16xf32>,
        %get3A_58 = vector.shape_cast %get3A_57 : vector<1x16xf32> to vector<16xf32>
        %mul3A_59 = arith.mulf %get3A_49, %get3A_58 : vector<16xf32>
        %add3A_60 = arith.addf %mul3A_54, %mul3A_59 : vector<16xf32>
        %swap3A = arith.index_cast %scan3A_36 : i32 to index
        %swap3A_61 = arith.constant 0 : index
        %swap3A_62 = tpu.vector_load %arg12[%swap3A, %swap3A_61] {strides = array<i32>} : memref<16x1024xf32, #tpu.memory_space<vmem>>, vector<1x16xf32>,
        %swap3A_63 = vector.shape_cast %swap3A_62 : vector<1x16xf32> to vector<16xf32>
        %swap3A_64 = vector.shape_cast %add3A_60 : vector<16xf32> to vector<1x16xf32>
        tpu.vector_store %arg12[%swap3A, %swap3A_61], %swap3A_64 {strides = array<i32>} : memref<16x1024xf32, #tpu.memory_space<vmem>>, vector<1x16xf32>,
        %get3A_65 = arith.index_cast %scan3A_36 : i32 to index
        %get3A_66 = arith.constant 16 : index
        %get3A_67 = tpu.vector_load %arg12[%get3A_65, %get3A_66] {strides = array<i32>} : memref<16x1024xf32, #tpu.memory_space<vmem>>, vector<1x16xf32>,
        %get3A_68 = vector.shape_cast %get3A_67 : vector<1x16xf32> to vector<16xf32>
        %mul3A_69 = arith.mulf %get3A_42, %get3A_68 : vector<16xf32>
        %get3A_70 = arith.index_cast %scan3A_36 : i32 to index
        %get3A_71 = arith.constant 16 : index
        %get3A_72 = tpu.vector_load %arg13[%get3A_70, %get3A_71] {strides = array<i32>} : memref<16x1024xf32, #tpu.memory_space<vmem>>, vector<1x16xf32>,
        %get3A_73 = vector.shape_cast %get3A_72 : vector<1x16xf32> to vector<16xf32>
        %mul3A_74 = arith.mulf %get3A_49, %get3A_73 : vector<16xf32>
        %add3A_75 = arith.addf %mul3A_69, %mul3A_74 : vector<16xf32>
        %swap3A_76 = arith.index_cast %scan3A_36 : i32 to index
        %swap3A_77 = arith.constant 16 : index
        %swap3A_78 = tpu.vector_load %arg12[%swap3A_76, %swap3A_77] {strides = array<i32>} : memref<16x1024xf32, #tpu.memory_space<vmem>>, vector<1x16xf32>,
        %swap3A_79 = vector.shape_cast %swap3A_78 : vector<1x16xf32> to vector<16xf32>
        %swap3A_80 = vector.shape_cast %add3A_75 : vector<16xf32> to vector<1x16xf32>
        tpu.vector_store %arg12[%swap3A_76, %swap3A_77], %swap3A_80 {strides = array<i32>} : memref<16x1024xf32, #tpu.memory_space<vmem>>, vector<1x16xf32>,
        %get3A_81 = arith.index_cast %scan3A_36 : i32 to index
        %get3A_82 = arith.constant 32 : index
        %get3A_83 = tpu.vector_load %arg12[%get3A_81, %get3A_82] {strides = array<i32>} : memref<16x1024xf32, #tpu.memory_space<vmem>>, vector<1x16xf32>,
        %get3A_84 = vector.shape_cast %get3A_83 : vector<1x16xf32> to vector<16xf32>
        %mul3A_85 = arith.mulf %get3A_42, %get3A_84 : vector<16xf32>
        %get3A_86 = arith.index_cast %scan3A_36 : i32 to index
        %get3A_87 = arith.constant 32 : index
        %get3A_88 = tpu.vector_load %arg13[%get3A_86, %get3A_87] {strides = array<i32>} : memref<16x1024xf32, #tpu.memory_space<vmem>>, vector<1x16xf32>,
        %get3A_89 = vector.shape_cast %get3A_88 : vector<1x16xf32> to vector<16xf32>
        %mul3A_90 = arith.mulf %get3A_49, %get3A_89 : vector<16xf32>
        %add3A_91 = arith.addf %mul3A_85, %mul3A_90 : vector<16xf32>
        %swap3A_92 = arith.index_cast %scan3A_36 : i32 to index
        %swap3A_93 = arith.constant 32 : index
        %swap3A_94 = tpu.vector_load %arg12[%swap3A_92, %swap3A_93] {strides = array<i32>} : memref<16x1024xf32, #tpu.memory_space<vmem>>, vector<1x16xf32>,
        %swap3A_95 = vector.shape_cast %swap3A_94 : vector<1x16xf32> to vector<16xf32>
        %swap3A_96 = vector.shape_cast %add3A_91 : vector<16xf32> to vector<1x16xf32>
        tpu.vector_store %arg12[%swap3A_92, %swap3A_93], %swap3A_96 {strides = array<i32>} : memref<16x1024xf32, #tpu.memory_space<vmem>>, vector<1x16xf32>,
        %get3A_97 = arith.index_cast %scan3A_36 : i32 to index
        %get3A_98 = arith.constant 48 : index
        %get3A_99 = tpu.vector_load %arg12[%get3A_97, %get3A_98] {strides = array<i32>} : memref<16x1024xf32, #tpu.memory_space<vmem>>, vector<1x16xf32>,
        %get3A_100 = vector.shape_cast %get3A_99 : vector<1x16xf32> to vector<16xf32>
        %mul3A_101 = arith.mulf %get3A_42, %get3A_100 : vector<16xf32>
        %get3A_102 = arith.index_cast %scan3A_36 : i32 to index
        %get3A_103 = arith.constant 48 : index
        %get3A_104 = tpu.vector_load %arg13[%get3A_102, %get3A_103] {strides = array<i32>} : memref<16x1024xf32, #tpu.memory_space<vmem>>, vector<1x16xf32>,
        %get3A_105 = vector.shape_cast %get3A_104 : vector<1x16xf32> to vector<16xf32>
        %mul3A_106 = arith.mulf %get3A_49, %get3A_105 : vector<16xf32>
        %add3A_107 = arith.addf %mul3A_101, %mul3A_106 : vector<16xf32>
        %swap3A_108 = arith.index_cast %scan3A_36 : i32 to index
        %swap3A_109 = arith.constant 48 : index
        %swap3A_110 = tpu.vector_load %arg12[%swap3A_108, %swap3A_109] {strides = array<i32>} : memref<16x1024xf32, #tpu.memory_space<vmem>>, vector<1x16xf32>,
        %swap3A_111 = vector.shape_cast %swap3A_110 : vector<1x16xf32> to vector<16xf32>
        %swap3A_112 = vector.shape_cast %add3A_107 : vector<16xf32> to vector<1x16xf32>
        tpu.vector_store %arg12[%swap3A_108, %swap3A_109], %swap3A_112 {strides = array<i32>} : memref<16x1024xf32, #tpu.memory_space<vmem>>, vector<1x16xf32>,
        %get3A_113 = arith.index_cast %scan3A_36 : i32 to index
        %get3A_114 = arith.constant 64 : index
        %get3A_115 = tpu.vector_load %arg12[%get3A_113, %get3A_114] {strides = array<i32>} : memref<16x1024xf32, #tpu.memory_space<vmem>>, vector<1x16xf32>,
        %get3A_116 = vector.shape_cast %get3A_115 : vector<1x16xf32> to vector<16xf32>
        %mul3A_117 = arith.mulf %get3A_42, %get3A_116 : vector<16xf32>
        %get3A_118 = arith.index_cast %scan3A_36 : i32 to index
        %get3A_119 = arith.constant 64 : index
        %get3A_120 = tpu.vector_load %arg13[%get3A_118, %get3A_119] {strides = array<i32>} : memref<16x1024xf32, #tpu.memory_space<vmem>>, vector<1x16xf32>,
        %get3A_121 = vector.shape_cast %get3A_120 : vector<1x16xf32> to vector<16xf32>
        %mul3A_122 = arith.mulf %get3A_49, %get3A_121 : vector<16xf32>
        %add3A_123 = arith.addf %mul3A_117, %mul3A_122 : vector<16xf32>
        %swap3A_124 = arith.index_cast %scan3A_36 : i32 to index
        %swap3A_125 = arith.constant 64 : index
        %swap3A_126 = tpu.vector_load %arg12[%swap3A_124, %swap3A_125] {strides = array<i32>} : memref<16x1024xf32, #tpu.memory_space<vmem>>, vector<1x16xf32>,
        %swap3A_127 = vector.shape_cast %swap3A_126 : vector<1x16xf32> to vector<16xf32>
        %swap3A_128 = vector.shape_cast %add3A_123 : vector<16xf32> to vector<1x16xf32>
        tpu.vector_store %arg12[%swap3A_124, %swap3A_125], %swap3A_128 {strides = array<i32>} : memref<16x1024xf32, #tpu.memory_space<vmem>>, vector<1x16xf32>,
        %get3A_129 = arith.index_cast %scan3A_36 : i32 to index
        %get3A_130 = arith.constant 80 : index
        %get3A_131 = tpu.vector_load %arg12[%get3A_129, %get3A_130] {strides = array<i32>} : memref<16x1024xf32, #tpu.memory_space<vmem>>, vector<1x16xf32>,
        %get3A_132 = vector.shape_cast %get3A_131 : vector<1x16xf32> to vector<16xf32>
        %mul3A_133 = arith.mulf %get3A_42, %get3A_132 : vector<16xf32>
        %get3A_134 = arith.index_cast %scan3A_36 : i32 to index
        %get3A_135 = arith.constant 80 : index
        %get3A_136 = tpu.vector_load %arg13[%get3A_134, %get3A_135] {strides = array<i32>} : memref<16x1024xf32, #tpu.memory_space<vmem>>, vector<1x16xf32>,
        %get3A_137 = vector.shape_cast %get3A_136 : vector<1x16xf32> to vector<16xf32>
        %mul3A_138 = arith.mulf %get3A_49, %get3A_137 : vector<16xf32>
        %add3A_139 = arith.addf %mul3A_133, %mul3A_138 : vector<16xf32>
        %swap3A_140 = arith.index_cast %scan3A_36 : i32 to index
        %swap3A_141 = arith.constant 80 : index
        %swap3A_142 = tpu.vector_load %arg12[%swap3A_140, %swap3A_141] {strides = array<i32>} : memref<16x1024xf32, #tpu.memory_space<vmem>>, vector<1x16xf32>,
        %swap3A_143 = vector.shape_cast %swap3A_142 : vector<1x16xf32> to vector<16xf32>
        %swap3A_144 = vector.shape_cast %add3A_139 : vector<16xf32> to vector<1x16xf32>
        tpu.vector_store %arg12[%swap3A_140, %swap3A_141], %swap3A_144 {strides = array<i32>} : memref<16x1024xf32, #tpu.memory_space<vmem>>, vector<1x16xf32>,
        %get3A_145 = arith.index_cast %scan3A_36 : i32 to index
        %get3A_146 = arith.constant 96 : index
        %get3A_147 = tpu.vector_load %arg12[%get3A_145, %get3A_146] {strides = array<i32>} : memref<16x1024xf32, #tpu.memory_space<vmem>>, vector<1x16xf32>,
        %get3A_148 = vector.shape_cast %get3A_147 : vector<1x16xf32> to vector<16xf32>
        %mul3A_149 = arith.mulf %get3A_42, %get3A_148 : vector<16xf32>
        %get3A_150 = arith.index_cast %scan3A_36 : i32 to index
        %get3A_151 = arith.constant 96 : index
        %get3A_152 = tpu.vector_load %arg13[%get3A_150, %get3A_151] {strides = array<i32>} : memref<16x1024xf32, #tpu.memory_space<vmem>>, vector<1x16xf32>,
        %get3A_153 = vector.shape_cast %get3A_152 : vector<1x16xf32> to vector<16xf32>
        %mul3A_154 = arith.mulf %get3A_49, %get3A_153 : vector<16xf32>
        %add3A_155 = arith.addf %mul3A_149, %mul3A_154 : vector<16xf32>
        %swap3A_156 = arith.index_cast %scan3A_36 : i32 to index
        %swap3A_157 = arith.constant 96 : index
        %swap3A_158 = tpu.vector_load %arg12[%swap3A_156, %swap3A_157] {strides = array<i32>} : memref<16x1024xf32, #tpu.memory_space<vmem>>, vector<1x16xf32>,
        %swap3A_159 = vector.shape_cast %swap3A_158 : vector<1x16xf32> to vector<16xf32>
        %swap3A_160 = vector.shape_cast %add3A_155 : vector<16xf32> to vector<1x16xf32>
        tpu.vector_store %arg12[%swap3A_156, %swap3A_157], %swap3A_160 {strides = array<i32>} : memref<16x1024xf32, #tpu.memory_space<vmem>>, vector<1x16xf32>,
        %get3A_161 = arith.index_cast %scan3A_36 : i32 to index
        %get3A_162 = arith.constant 112 : index
        %get3A_163 = tpu.vector_load %arg12[%get3A_161, %get3A_162] {strides = array<i32>} : memref<16x1024xf32, #tpu.memory_space<vmem>>, vector<1x16xf32>,
        %get3A_164 = vector.shape_cast %get3A_163 : vector<1x16xf32> to vector<16xf32>
        %mul3A_165 = arith.mulf %get3A_42, %get3A_164 : vector<16xf32>
        %get3A_166 = arith.index_cast %scan3A_36 : i32 to index
        %get3A_167 = arith.constant 112 : index
        %get3A_168 = tpu.vector_load %arg13[%get3A_166, %get3A_167] {strides = array<i32>} : memref<16x1024xf32, #tpu.memory_space<vmem>>, vector<1x16xf32>,
        %get3A_169 = vector.shape_cast %get3A_168 : vector<1x16xf32> to vector<16xf32>
        %mul3A_170 = arith.mulf %get3A_49, %get3A_169 : vector<16xf32>
        %add3A_171 = arith.addf %mul3A_165, %mul3A_170 : vector<16xf32>
        %swap3A_172 = arith.index_cast %scan3A_36 : i32 to index
        %swap3A_173 = arith.constant 112 : index
        %swap3A_174 = tpu.vector_load %arg12[%swap3A_172, %swap3A_173] {strides = array<i32>} : memref<16x1024xf32, #tpu.memory_space<vmem>>, vector<1x16xf32>,
        %swap3A_175 = vector.shape_cast %swap3A_174 : vector<1x16xf32> to vector<16xf32>
        %swap3A_176 = vector.shape_cast %add3A_171 : vector<16xf32> to vector<1x16xf32>
        tpu.vector_store %arg12[%swap3A_172, %swap3A_173], %swap3A_176 {strides = array<i32>} : memref<16x1024xf32, #tpu.memory_space<vmem>>, vector<1x16xf32>,
        %get3A_177 = arith.index_cast %scan3A_36 : i32 to index
        %get3A_178 = arith.constant 128 : index
        %get3A_179 = tpu.vector_load %arg12[%get3A_177, %get3A_178] {strides = array<i32>} : memref<16x1024xf32, #tpu.memory_space<vmem>>, vector<1x16xf32>,
        %get3A_180 = vector.shape_cast %get3A_179 : vector<1x16xf32> to vector<16xf32>
        %mul3A_181 = arith.mulf %get3A_42, %get3A_180 : vector<16xf32>
        %get3A_182 = arith.index_cast %scan3A_36 : i32 to index
        %get3A_183 = arith.constant 128 : index
        %get3A_184 = tpu.vector_load %arg13[%get3A_182, %get3A_183] {strides = array<i32>} : memref<16x1024xf32, #tpu.memory_space<vmem>>, vector<1x16xf32>,
        %get3A_185 = vector.shape_cast %get3A_184 : vector<1x16xf32> to vector<16xf32>
        %mul3A_186 = arith.mulf %get3A_49, %get3A_185 : vector<16xf32>
        %add3A_187 = arith.addf %mul3A_181, %mul3A_186 : vector<16xf32>
        %swap3A_188 = arith.index_cast %scan3A_36 : i32 to index
        %swap3A_189 = arith.constant 128 : index
        %swap3A_190 = tpu.vector_load %arg12[%swap3A_188, %swap3A_189] {strides = array<i32>} : memref<16x1024xf32, #tpu.memory_space<vmem>>, vector<1x16xf32>,
        %swap3A_191 = vector.shape_cast %swap3A_190 : vector<1x16xf32> to vector<16xf32>
        %swap3A_192 = vector.shape_cast %add3A_187 : vector<16xf32> to vector<1x16xf32>
        tpu.vector_store %arg12[%swap3A_188, %swap3A_189], %swap3A_192 {strides = array<i32>} : memref<16x1024xf32, #tpu.memory_space<vmem>>, vector<1x16xf32>,
        %get3A_193 = arith.index_cast %scan3A_36 : i32 to index
        %get3A_194 = arith.constant 144 : index
        %get3A_195 = tpu.vector_load %arg12[%get3A_193, %get3A_194] {strides = array<i32>} : memref<16x1024xf32, #tpu.memory_space<vmem>>, vector<1x16xf32>,
        %get3A_196 = vector.shape_cast %get3A_195 : vector<1x16xf32> to vector<16xf32>
        %mul3A_197 = arith.mulf %get3A_42, %get3A_196 : vector<16xf32>
        %get3A_198 = arith.index_cast %scan3A_36 : i32 to index
        %get3A_199 = arith.constant 144 : index
        %get3A_200 = tpu.vector_load %arg13[%get3A_198, %get3A_199] {strides = array<i32>} : memref<16x1024xf32, #tpu.memory_space<vmem>>, vector<1x16xf32>,
        %get3A_201 = vector.shape_cast %get3A_200 : vector<1x16xf32> to vector<16xf32>
        %mul3A_202 = arith.mulf %get3A_49, %get3A_201 : vector<16xf32>
        %add3A_203 = arith.addf %mul3A_197, %mul3A_202 : vector<16xf32>
        %swap3A_204 = arith.index_cast %scan3A_36 : i32 to index
        %swap3A_205 = arith.constant 144 : index
        %swap3A_206 = tpu.vector_load %arg12[%swap3A_204, %swap3A_205] {strides = array<i32>} : memref<16x1024xf32, #tpu.memory_space<vmem>>, vector<1x16xf32>,
        %swap3A_207 = vector.shape_cast %swap3A_206 : vector<1x16xf32> to vector<16xf32>
        %swap3A_208 = vector.shape_cast %add3A_203 : vector<16xf32> to vector<1x16xf32>
        tpu.vector_store %arg12[%swap3A_204, %swap3A_205], %swap3A_208 {strides = array<i32>} : memref<16x1024xf32, #tpu.memory_space<vmem>>, vector<1x16xf32>,
        %get3A_209 = arith.index_cast %scan3A_36 : i32 to index
        %get3A_210 = arith.constant 160 : index
        %get3A_211 = tpu.vector_load %arg12[%get3A_209, %get3A_210] {strides = array<i32>} : memref<16x1024xf32, #tpu.memory_space<vmem>>, vector<1x16xf32>,
        %get3A_212 = vector.shape_cast %get3A_211 : vector<1x16xf32> to vector<16xf32>
        %mul3A_213 = arith.mulf %get3A_42, %get3A_212 : vector<16xf32>
        %get3A_214 = arith.index_cast %scan3A_36 : i32 to index
        %get3A_215 = arith.constant 160 : index
        %get3A_216 = tpu.vector_load %arg13[%get3A_214, %get3A_215] {strides = array<i32>} : memref<16x1024xf32, #tpu.memory_space<vmem>>, vector<1x16xf32>,
        %get3A_217 = vector.shape_cast %get3A_216 : vector<1x16xf32> to vector<16xf32>
        %mul3A_218 = arith.mulf %get3A_49, %get3A_217 : vector<16xf32>
        %add3A_219 = arith.addf %mul3A_213, %mul3A_218 : vector<16xf32>
        %swap3A_220 = arith.index_cast %scan3A_36 : i32 to index
        %swap3A_221 = arith.constant 160 : index
        %swap3A_222 = tpu.vector_load %arg12[%swap3A_220, %swap3A_221] {strides = array<i32>} : memref<16x1024xf32, #tpu.memory_space<vmem>>, vector<1x16xf32>,
        %swap3A_223 = vector.shape_cast %swap3A_222 : vector<1x16xf32> to vector<16xf32>
        %swap3A_224 = vector.shape_cast %add3A_219 : vector<16xf32> to vector<1x16xf32>
        tpu.vector_store %arg12[%swap3A_220, %swap3A_221], %swap3A_224 {strides = array<i32>} : memref<16x1024xf32, #tpu.memory_space<vmem>>, vector<1x16xf32>,
        %get3A_225 = arith.index_cast %scan3A_36 : i32 to index
        %get3A_226 = arith.constant 176 : index
        %get3A_227 = tpu.vector_load %arg12[%get3A_225, %get3A_226] {strides = array<i32>} : memref<16x1024xf32, #tpu.memory_space<vmem>>, vector<1x16xf32>,
        %get3A_228 = vector.shape_cast %get3A_227 : vector<1x16xf32> to vector<16xf32>
        %mul3A_229 = arith.mulf %get3A_42, %get3A_228 : vector<16xf32>
        %get3A_230 = arith.index_cast %scan3A_36 : i32 to index
        %get3A_231 = arith.constant 176 : index
        %get3A_232 = tpu.vector_load %arg13[%get3A_230, %get3A_231] {strides = array<i32>} : memref<16x1024xf32, #tpu.memory_space<vmem>>, vector<1x16xf32>,
        %get3A_233 = vector.shape_cast %get3A_232 : vector<1x16xf32> to vector<16xf32>
        %mul3A_234 = arith.mulf %get3A_49, %get3A_233 : vector<16xf32>
        %add3A_235 = arith.addf %mul3A_229, %mul3A_234 : vector<16xf32>
        %swap3A_236 = arith.index_cast %scan3A_36 : i32 to index
        %swap3A_237 = arith.constant 176 : index
        %swap3A_238 = tpu.vector_load %arg12[%swap3A_236, %swap3A_237] {strides = array<i32>} : memref<16x1024xf32, #tpu.memory_space<vmem>>, vector<1x16xf32>,
        %swap3A_239 = vector.shape_cast %swap3A_238 : vector<1x16xf32> to vector<16xf32>
        %swap3A_240 = vector.shape_cast %add3A_235 : vector<16xf32> to vector<1x16xf32>
        tpu.vector_store %arg12[%swap3A_236, %swap3A_237], %swap3A_240 {strides = array<i32>} : memref<16x1024xf32, #tpu.memory_space<vmem>>, vector<1x16xf32>,
        %get3A_241 = arith.index_cast %scan3A_36 : i32 to index
        %get3A_242 = arith.constant 192 : index
        %get3A_243 = tpu.vector_load %arg12[%get3A_241, %get3A_242] {strides = array<i32>} : memref<16x1024xf32, #tpu.memory_space<vmem>>, vector<1x16xf32>,
        %get3A_244 = vector.shape_cast %get3A_243 : vector<1x16xf32> to vector<16xf32>
        %mul3A_245 = arith.mulf %get3A_42, %get3A_244 : vector<16xf32>
        %get3A_246 = arith.index_cast %scan3A_36 : i32 to index
        %get3A_247 = arith.constant 192 : index
        %get3A_248 = tpu.vector_load %arg13[%get3A_246, %get3A_247] {strides = array<i32>} : memref<16x1024xf32, #tpu.memory_space<vmem>>, vector<1x16xf32>,
        %get3A_249 = vector.shape_cast %get3A_248 : vector<1x16xf32> to vector<16xf32>
        %mul3A_250 = arith.mulf %get3A_49, %get3A_249 : vector<16xf32>
        %add3A_251 = arith.addf %mul3A_245, %mul3A_250 : vector<16xf32>
        %swap3A_252 = arith.index_cast %scan3A_36 : i32 to index
        %swap3A_253 = arith.constant 192 : index
        %swap3A_254 = tpu.vector_load %arg12[%swap3A_252, %swap3A_253] {strides = array<i32>} : memref<16x1024xf32, #tpu.memory_space<vmem>>, vector<1x16xf32>,
        %swap3A_255 = vector.shape_cast %swap3A_254 : vector<1x16xf32> to vector<16xf32>
        %swap3A_256 = vector.shape_cast %add3A_251 : vector<16xf32> to vector<1x16xf32>
        tpu.vector_store %arg12[%swap3A_252, %swap3A_253], %swap3A_256 {strides = array<i32>} : memref<16x1024xf32, #tpu.memory_space<vmem>>, vector<1x16xf32>,
        %get3A_257 = arith.index_cast %scan3A_36 : i32 to index
        %get3A_258 = arith.constant 208 : index
        %get3A_259 = tpu.vector_load %arg12[%get3A_257, %get3A_258] {strides = array<i32>} : memref<16x1024xf32, #tpu.memory_space<vmem>>, vector<1x16xf32>,
        %get3A_260 = vector.shape_cast %get3A_259 : vector<1x16xf32> to vector<16xf32>
        %mul3A_261 = arith.mulf %get3A_42, %get3A_260 : vector<16xf32>
        %get3A_262 = arith.index_cast %scan3A_36 : i32 to index
        %get3A_263 = arith.constant 208 : index
        %get3A_264 = tpu.vector_load %arg13[%get3A_262, %get3A_263] {strides = array<i32>} : memref<16x1024xf32, #tpu.memory_space<vmem>>, vector<1x16xf32>,
        %get3A_265 = vector.shape_cast %get3A_264 : vector<1x16xf32> to vector<16xf32>
        %mul3A_266 = arith.mulf %get3A_49, %get3A_265 : vector<16xf32>
        %add3A_267 = arith.addf %mul3A_261, %mul3A_266 : vector<16xf32>
        %swap3A_268 = arith.index_cast %scan3A_36 : i32 to index
        %swap3A_269 = arith.constant 208 : index
        %swap3A_270 = tpu.vector_load %arg12[%swap3A_268, %swap3A_269] {strides = array<i32>} : memref<16x1024xf32, #tpu.memory_space<vmem>>, vector<1x16xf32>,
        %swap3A_271 = vector.shape_cast %swap3A_270 : vector<1x16xf32> to vector<16xf32>
        %swap3A_272 = vector.shape_cast %add3A_267 : vector<16xf32> to vector<1x16xf32>
        tpu.vector_store %arg12[%swap3A_268, %swap3A_269], %swap3A_272 {strides = array<i32>} : memref<16x1024xf32, #tpu.memory_space<vmem>>, vector<1x16xf32>,
        %get3A_273 = arith.index_cast %scan3A_36 : i32 to index
        %get3A_274 = arith.constant 224 : index
        %get3A_275 = tpu.vector_load %arg12[%get3A_273, %get3A_274] {strides = array<i32>} : memref<16x1024xf32, #tpu.memory_space<vmem>>, vector<1x16xf32>,
        %get3A_276 = vector.shape_cast %get3A_275 : vector<1x16xf32> to vector<16xf32>
        %mul3A_277 = arith.mulf %get3A_42, %get3A_276 : vector<16xf32>
        %get3A_278 = arith.index_cast %scan3A_36 : i32 to index
        %get3A_279 = arith.constant 224 : index
        %get3A_280 = tpu.vector_load %arg13[%get3A_278, %get3A_279] {strides = array<i32>} : memref<16x1024xf32, #tpu.memory_space<vmem>>, vector<1x16xf32>,
        %get3A_281 = vector.shape_cast %get3A_280 : vector<1x16xf32> to vector<16xf32>
        %mul3A_282 = arith.mulf %get3A_49, %get3A_281 : vector<16xf32>
        %add3A_283 = arith.addf %mul3A_277, %mul3A_282 : vector<16xf32>
        %swap3A_284 = arith.index_cast %scan3A_36 : i32 to index
        %swap3A_285 = arith.constant 224 : index
        %swap3A_286 = tpu.vector_load %arg12[%swap3A_284, %swap3A_285] {strides = array<i32>} : memref<16x1024xf32, #tpu.memory_space<vmem>>, vector<1x16xf32>,
        %swap3A_287 = vector.shape_cast %swap3A_286 : vector<1x16xf32> to vector<16xf32>
        %swap3A_288 = vector.shape_cast %add3A_283 : vector<16xf32> to vector<1x16xf32>
        tpu.vector_store %arg12[%swap3A_284, %swap3A_285], %swap3A_288 {strides = array<i32>} : memref<16x1024xf32, #tpu.memory_space<vmem>>, vector<1x16xf32>,
        %get3A_289 = arith.index_cast %scan3A_36 : i32 to index
        %get3A_290 = arith.constant 240 : index
        %get3A_291 = tpu.vector_load %arg12[%get3A_289, %get3A_290] {strides = array<i32>} : memref<16x1024xf32, #tpu.memory_space<vmem>>, vector<1x16xf32>,
        %get3A_292 = vector.shape_cast %get3A_291 : vector<1x16xf32> to vector<16xf32>
        %mul3A_293 = arith.mulf %get3A_42, %get3A_292 : vector<16xf32>
        %get3A_294 = arith.index_cast %scan3A_36 : i32 to index
        %get3A_295 = arith.constant 240 : index
        %get3A_296 = tpu.vector_load %arg13[%get3A_294, %get3A_295] {strides = array<i32>} : memref<16x1024xf32, #tpu.memory_space<vmem>>, vector<1x16xf32>,
        %get3A_297 = vector.shape_cast %get3A_296 : vector<1x16xf32> to vector<16xf32>
        %mul3A_298 = arith.mulf %get3A_49, %get3A_297 : vector<16xf32>
        %add3A_299 = arith.addf %mul3A_293, %mul3A_298 : vector<16xf32>
        %swap3A_300 = arith.index_cast %scan3A_36 : i32 to index
        %swap3A_301 = arith.constant 240 : index
        %swap3A_302 = tpu.vector_load %arg12[%swap3A_300, %swap3A_301] {strides = array<i32>} : memref<16x1024xf32, #tpu.memory_space<vmem>>, vector<1x16xf32>,
        %swap3A_303 = vector.shape_cast %swap3A_302 : vector<1x16xf32> to vector<16xf32>
        %swap3A_304 = vector.shape_cast %add3A_299 : vector<16xf32> to vector<1x16xf32>
        tpu.vector_store %arg12[%swap3A_300, %swap3A_301], %swap3A_304 {strides = array<i32>} : memref<16x1024xf32, #tpu.memory_space<vmem>>, vector<1x16xf32>,
        %get3A_305 = arith.index_cast %scan3A_36 : i32 to index
        %get3A_306 = arith.constant 256 : index
        %get3A_307 = tpu.vector_load %arg12[%get3A_305, %get3A_306] {strides = array<i32>} : memref<16x1024xf32, #tpu.memory_space<vmem>>, vector<1x16xf32>,
        %get3A_308 = vector.shape_cast %get3A_307 : vector<1x16xf32> to vector<16xf32>
        %mul3A_309 = arith.mulf %get3A_42, %get3A_308 : vector<16xf32>
        %get3A_310 = arith.index_cast %scan3A_36 : i32 to index
        %get3A_311 = arith.constant 256 : index
        %get3A_312 = tpu.vector_load %arg13[%get3A_310, %get3A_311] {strides = array<i32>} : memref<16x1024xf32, #tpu.memory_space<vmem>>, vector<1x16xf32>,
        %get3A_313 = vector.shape_cast %get3A_312 : vector<1x16xf32> to vector<16xf32>
        %mul3A_314 = arith.mulf %get3A_49, %get3A_313 : vector<16xf32>
        %add3A_315 = arith.addf %mul3A_309, %mul3A_314 : vector<16xf32>
        %swap3A_316 = arith.index_cast %scan3A_36 : i32 to index
        %swap3A_317 = arith.constant 256 : index
        %swap3A_318 = tpu.vector_load %arg12[%swap3A_316, %swap3A_317] {strides = array<i32>} : memref<16x1024xf32, #tpu.memory_space<vmem>>, vector<1x16xf32>,
        %swap3A_319 = vector.shape_cast %swap3A_318 : vector<1x16xf32> to vector<16xf32>
        %swap3A_320 = vector.shape_cast %add3A_315 : vector<16xf32> to vector<1x16xf32>
        tpu.vector_store %arg12[%swap3A_316, %swap3A_317], %swap3A_320 {strides = array<i32>} : memref<16x1024xf32, #tpu.memory_space<vmem>>, vector<1x16xf32>,
        %get3A_321 = arith.index_cast %scan3A_36 : i32 to index
        %get3A_322 = arith.constant 272 : index
        %get3A_323 = tpu.vector_load %arg12[%get3A_321, %get3A_322] {strides = array<i32>} : memref<16x1024xf32, #tpu.memory_space<vmem>>, vector<1x16xf32>,
        %get3A_324 = vector.shape_cast %get3A_323 : vector<1x16xf32> to vector<16xf32>
        %mul3A_325 = arith.mulf %get3A_42, %get3A_324 : vector<16xf32>
        %get3A_326 = arith.index_cast %scan3A_36 : i32 to index
        %get3A_327 = arith.constant 272 : index
        %get3A_328 = tpu.vector_load %arg13[%get3A_326, %get3A_327] {strides = array<i32>} : memref<16x1024xf32, #tpu.memory_space<vmem>>, vector<1x16xf32>,
        %get3A_329 = vector.shape_cast %get3A_328 : vector<1x16xf32> to vector<16xf32>
        %mul3A_330 = arith.mulf %get3A_49, %get3A_329 : vector<16xf32>
        %add3A_331 = arith.addf %mul3A_325, %mul3A_330 : vector<16xf32>
        %swap3A_332 = arith.index_cast %scan3A_36 : i32 to index
        %swap3A_333 = arith.constant 272 : index
        %swap3A_334 = tpu.vector_load %arg12[%swap3A_332, %swap3A_333] {strides = array<i32>} : memref<16x1024xf32, #tpu.memory_space<vmem>>, vector<1x16xf32>,
        %swap3A_335 = vector.shape_cast %swap3A_334 : vector<1x16xf32> to vector<16xf32>
        %swap3A_336 = vector.shape_cast %add3A_331 : vector<16xf32> to vector<1x16xf32>
        tpu.vector_store %arg12[%swap3A_332, %swap3A_333], %swap3A_336 {strides = array<i32>} : memref<16x1024xf32, #tpu.memory_space<vmem>>, vector<1x16xf32>,
        %get3A_337 = arith.index_cast %scan3A_36 : i32 to index
        %get3A_338 = arith.constant 288 : index
        %get3A_339 = tpu.vector_load %arg12[%get3A_337, %get3A_338] {strides = array<i32>} : memref<16x1024xf32, #tpu.memory_space<vmem>>, vector<1x16xf32>,
        %get3A_340 = vector.shape_cast %get3A_339 : vector<1x16xf32> to vector<16xf32>
        %mul3A_341 = arith.mulf %get3A_42, %get3A_340 : vector<16xf32>
        %get3A_342 = arith.index_cast %scan3A_36 : i32 to index
        %get3A_343 = arith.constant 288 : index
        %get3A_344 = tpu.vector_load %arg13[%get3A_342, %get3A_343] {strides = array<i32>} : memref<16x1024xf32, #tpu.memory_space<vmem>>, vector<1x16xf32>,
        %get3A_345 = vector.shape_cast %get3A_344 : vector<1x16xf32> to vector<16xf32>
        %mul3A_346 = arith.mulf %get3A_49, %get3A_345 : vector<16xf32>
        %add3A_347 = arith.addf %mul3A_341, %mul3A_346 : vector<16xf32>
        %swap3A_348 = arith.index_cast %scan3A_36 : i32 to index
        %swap3A_349 = arith.constant 288 : index
        %swap3A_350 = tpu.vector_load %arg12[%swap3A_348, %swap3A_349] {strides = array<i32>} : memref<16x1024xf32, #tpu.memory_space<vmem>>, vector<1x16xf32>,
        %swap3A_351 = vector.shape_cast %swap3A_350 : vector<1x16xf32> to vector<16xf32>
        %swap3A_352 = vector.shape_cast %add3A_347 : vector<16xf32> to vector<1x16xf32>
        tpu.vector_store %arg12[%swap3A_348, %swap3A_349], %swap3A_352 {strides = array<i32>} : memref<16x1024xf32, #tpu.memory_space<vmem>>, vector<1x16xf32>,
        %get3A_353 = arith.index_cast %scan3A_36 : i32 to index
        %get3A_354 = arith.constant 304 : index
        %get3A_355 = tpu.vector_load %arg12[%get3A_353, %get3A_354] {strides = array<i32>} : memref<16x1024xf32, #tpu.memory_space<vmem>>, vector<1x16xf32>,
        %get3A_356 = vector.shape_cast %get3A_355 : vector<1x16xf32> to vector<16xf32>
        %mul3A_357 = arith.mulf %get3A_42, %get3A_356 : vector<16xf32>
        %get3A_358 = arith.index_cast %scan3A_36 : i32 to index
        %get3A_359 = arith.constant 304 : index
        %get3A_360 = tpu.vector_load %arg13[%get3A_358, %get3A_359] {strides = array<i32>} : memref<16x1024xf32, #tpu.memory_space<vmem>>, vector<1x16xf32>,
        %get3A_361 = vector.shape_cast %get3A_360 : vector<1x16xf32> to vector<16xf32>
        %mul3A_362 = arith.mulf %get3A_49, %get3A_361 : vector<16xf32>
        %add3A_363 = arith.addf %mul3A_357, %mul3A_362 : vector<16xf32>
        %swap3A_364 = arith.index_cast %scan3A_36 : i32 to index
        %swap3A_365 = arith.constant 304 : index
        %swap3A_366 = tpu.vector_load %arg12[%swap3A_364, %swap3A_365] {strides = array<i32>} : memref<16x1024xf32, #tpu.memory_space<vmem>>, vector<1x16xf32>,
        %swap3A_367 = vector.shape_cast %swap3A_366 : vector<1x16xf32> to vector<16xf32>
        %swap3A_368 = vector.shape_cast %add3A_363 : vector<16xf32> to vector<1x16xf32>
        tpu.vector_store %arg12[%swap3A_364, %swap3A_365], %swap3A_368 {strides = array<i32>} : memref<16x1024xf32, #tpu.memory_space<vmem>>, vector<1x16xf32>,
        %get3A_369 = arith.index_cast %scan3A_36 : i32 to index
        %get3A_370 = arith.constant 320 : index
        %get3A_371 = tpu.vector_load %arg12[%get3A_369, %get3A_370] {strides = array<i32>} : memref<16x1024xf32, #tpu.memory_space<vmem>>, vector<1x16xf32>,
        %get3A_372 = vector.shape_cast %get3A_371 : vector<1x16xf32> to vector<16xf32>
        %mul3A_373 = arith.mulf %get3A_42, %get3A_372 : vector<16xf32>
        %get3A_374 = arith.index_cast %scan3A_36 : i32 to index
        %get3A_375 = arith.constant 320 : index
        %get3A_376 = tpu.vector_load %arg13[%get3A_374, %get3A_375] {strides = array<i32>} : memref<16x1024xf32, #tpu.memory_space<vmem>>, vector<1x16xf32>,
        %get3A_377 = vector.shape_cast %get3A_376 : vector<1x16xf32> to vector<16xf32>
        %mul3A_378 = arith.mulf %get3A_49, %get3A_377 : vector<16xf32>
        %add3A_379 = arith.addf %mul3A_373, %mul3A_378 : vector<16xf32>
        %swap3A_380 = arith.index_cast %scan3A_36 : i32 to index
        %swap3A_381 = arith.constant 320 : index
        %swap3A_382 = tpu.vector_load %arg12[%swap3A_380, %swap3A_381] {strides = array<i32>} : memref<16x1024xf32, #tpu.memory_space<vmem>>, vector<1x16xf32>,
        %swap3A_383 = vector.shape_cast %swap3A_382 : vector<1x16xf32> to vector<16xf32>
        %swap3A_384 = vector.shape_cast %add3A_379 : vector<16xf32> to vector<1x16xf32>
        tpu.vector_store %arg12[%swap3A_380, %swap3A_381], %swap3A_384 {strides = array<i32>} : memref<16x1024xf32, #tpu.memory_space<vmem>>, vector<1x16xf32>,
        %get3A_385 = arith.index_cast %scan3A_36 : i32 to index
        %get3A_386 = arith.constant 336 : index
        %get3A_387 = tpu.vector_load %arg12[%get3A_385, %get3A_386] {strides = array<i32>} : memref<16x1024xf32, #tpu.memory_space<vmem>>, vector<1x16xf32>,
        %get3A_388 = vector.shape_cast %get3A_387 : vector<1x16xf32> to vector<16xf32>
        %mul3A_389 = arith.mulf %get3A_42, %get3A_388 : vector<16xf32>
        %get3A_390 = arith.index_cast %scan3A_36 : i32 to index
        %get3A_391 = arith.constant 336 : index
        %get3A_392 = tpu.vector_load %arg13[%get3A_390, %get3A_391] {strides = array<i32>} : memref<16x1024xf32, #tpu.memory_space<vmem>>, vector<1x16xf32>,
        %get3A_393 = vector.shape_cast %get3A_392 : vector<1x16xf32> to vector<16xf32>
        %mul3A_394 = arith.mulf %get3A_49, %get3A_393 : vector<16xf32>
        %add3A_395 = arith.addf %mul3A_389, %mul3A_394 : vector<16xf32>
        %swap3A_396 = arith.index_cast %scan3A_36 : i32 to index
        %swap3A_397 = arith.constant 336 : index
        %swap3A_398 = tpu.vector_load %arg12[%swap3A_396, %swap3A_397] {strides = array<i32>} : memref<16x1024xf32, #tpu.memory_space<vmem>>, vector<1x16xf32>,
        %swap3A_399 = vector.shape_cast %swap3A_398 : vector<1x16xf32> to vector<16xf32>
        %swap3A_400 = vector.shape_cast %add3A_395 : vector<16xf32> to vector<1x16xf32>
        tpu.vector_store %arg12[%swap3A_396, %swap3A_397], %swap3A_400 {strides = array<i32>} : memref<16x1024xf32, #tpu.memory_space<vmem>>, vector<1x16xf32>,
        %get3A_401 = arith.index_cast %scan3A_36 : i32 to index
        %get3A_402 = arith.constant 352 : index
        %get3A_403 = tpu.vector_load %arg12[%get3A_401, %get3A_402] {strides = array<i32>} : memref<16x1024xf32, #tpu.memory_space<vmem>>, vector<1x16xf32>,
        %get3A_404 = vector.shape_cast %get3A_403 : vector<1x16xf32> to vector<16xf32>
        %mul3A_405 = arith.mulf %get3A_42, %get3A_404 : vector<16xf32>
        %get3A_406 = arith.index_cast %scan3A_36 : i32 to index
        %get3A_407 = arith.constant 352 : index
        %get3A_408 = tpu.vector_load %arg13[%get3A_406, %get3A_407] {strides = array<i32>} : memref<16x1024xf32, #tpu.memory_space<vmem>>, vector<1x16xf32>,
        %get3A_409 = vector.shape_cast %get3A_408 : vector<1x16xf32> to vector<16xf32>
        %mul3A_410 = arith.mulf %get3A_49, %get3A_409 : vector<16xf32>
        %add3A_411 = arith.addf %mul3A_405, %mul3A_410 : vector<16xf32>
        %swap3A_412 = arith.index_cast %scan3A_36 : i32 to index
        %swap3A_413 = arith.constant 352 : index
        %swap3A_414 = tpu.vector_load %arg12[%swap3A_412, %swap3A_413] {strides = array<i32>} : memref<16x1024xf32, #tpu.memory_space<vmem>>, vector<1x16xf32>,
        %swap3A_415 = vector.shape_cast %swap3A_414 : vector<1x16xf32> to vector<16xf32>
        %swap3A_416 = vector.shape_cast %add3A_411 : vector<16xf32> to vector<1x16xf32>
        tpu.vector_store %arg12[%swap3A_412, %swap3A_413], %swap3A_416 {strides = array<i32>} : memref<16x1024xf32, #tpu.memory_space<vmem>>, vector<1x16xf32>,
        %get3A_417 = arith.index_cast %scan3A_36 : i32 to index
        %get3A_418 = arith.constant 368 : index
        %get3A_419 = tpu.vector_load %arg12[%get3A_417, %get3A_418] {strides = array<i32>} : memref<16x1024xf32, #tpu.memory_space<vmem>>, vector<1x16xf32>,
        %get3A_420 = vector.shape_cast %get3A_419 : vector<1x16xf32> to vector<16xf32>
        %mul3A_421 = arith.mulf %get3A_42, %get3A_420 : vector<16xf32>
        %get3A_422 = arith.index_cast %scan3A_36 : i32 to index
        %get3A_423 = arith.constant 368 : index
        %get3A_424 = tpu.vector_load %arg13[%get3A_422, %get3A_423] {strides = array<i32>} : memref<16x1024xf32, #tpu.memory_space<vmem>>, vector<1x16xf32>,
        %get3A_425 = vector.shape_cast %get3A_424 : vector<1x16xf32> to vector<16xf32>
        %mul3A_426 = arith.mulf %get3A_49, %get3A_425 : vector<16xf32>
        %add3A_427 = arith.addf %mul3A_421, %mul3A_426 : vector<16xf32>
        %swap3A_428 = arith.index_cast %scan3A_36 : i32 to index
        %swap3A_429 = arith.constant 368 : index
        %swap3A_430 = tpu.vector_load %arg12[%swap3A_428, %swap3A_429] {strides = array<i32>} : memref<16x1024xf32, #tpu.memory_space<vmem>>, vector<1x16xf32>,
        %swap3A_431 = vector.shape_cast %swap3A_430 : vector<1x16xf32> to vector<16xf32>
        %swap3A_432 = vector.shape_cast %add3A_427 : vector<16xf32> to vector<1x16xf32>
        tpu.vector_store %arg12[%swap3A_428, %swap3A_429], %swap3A_432 {strides = array<i32>} : memref<16x1024xf32, #tpu.memory_space<vmem>>, vector<1x16xf32>,
        %get3A_433 = arith.index_cast %scan3A_36 : i32 to index
        %get3A_434 = arith.constant 384 : index
        %get3A_435 = tpu.vector_load %arg12[%get3A_433, %get3A_434] {strides = array<i32>} : memref<16x1024xf32, #tpu.memory_space<vmem>>, vector<1x16xf32>,
        %get3A_436 = vector.shape_cast %get3A_435 : vector<1x16xf32> to vector<16xf32>
        %mul3A_437 = arith.mulf %get3A_42, %get3A_436 : vector<16xf32>
        %get3A_438 = arith.index_cast %scan3A_36 : i32 to index
        %get3A_439 = arith.constant 384 : index
        %get3A_440 = tpu.vector_load %arg13[%get3A_438, %get3A_439] {strides = array<i32>} : memref<16x1024xf32, #tpu.memory_space<vmem>>, vector<1x16xf32>,
        %get3A_441 = vector.shape_cast %get3A_440 : vector<1x16xf32> to vector<16xf32>
        %mul3A_442 = arith.mulf %get3A_49, %get3A_441 : vector<16xf32>
        %add3A_443 = arith.addf %mul3A_437, %mul3A_442 : vector<16xf32>
        %swap3A_444 = arith.index_cast %scan3A_36 : i32 to index
        %swap3A_445 = arith.constant 384 : index
        %swap3A_446 = tpu.vector_load %arg12[%swap3A_444, %swap3A_445] {strides = array<i32>} : memref<16x1024xf32, #tpu.memory_space<vmem>>, vector<1x16xf32>,
        %swap3A_447 = vector.shape_cast %swap3A_446 : vector<1x16xf32> to vector<16xf32>
        %swap3A_448 = vector.shape_cast %add3A_443 : vector<16xf32> to vector<1x16xf32>
        tpu.vector_store %arg12[%swap3A_444, %swap3A_445], %swap3A_448 {strides = array<i32>} : memref<16x1024xf32, #tpu.memory_space<vmem>>, vector<1x16xf32>,
        %get3A_449 = arith.index_cast %scan3A_36 : i32 to index
        %get3A_450 = arith.constant 400 : index
        %get3A_451 = tpu.vector_load %arg12[%get3A_449, %get3A_450] {strides = array<i32>} : memref<16x1024xf32, #tpu.memory_space<vmem>>, vector<1x16xf32>,
        %get3A_452 = vector.shape_cast %get3A_451 : vector<1x16xf32> to vector<16xf32>
        %mul3A_453 = arith.mulf %get3A_42, %get3A_452 : vector<16xf32>
        %get3A_454 = arith.index_cast %scan3A_36 : i32 to index
        %get3A_455 = arith.constant 400 : index
        %get3A_456 = tpu.vector_load %arg13[%get3A_454, %get3A_455] {strides = array<i32>} : memref<16x1024xf32, #tpu.memory_space<vmem>>, vector<1x16xf32>,
        %get3A_457 = vector.shape_cast %get3A_456 : vector<1x16xf32> to vector<16xf32>
        %mul3A_458 = arith.mulf %get3A_49, %get3A_457 : vector<16xf32>
        %add3A_459 = arith.addf %mul3A_453, %mul3A_458 : vector<16xf32>
        %swap3A_460 = arith.index_cast %scan3A_36 : i32 to index
        %swap3A_461 = arith.constant 400 : index
        %swap3A_462 = tpu.vector_load %arg12[%swap3A_460, %swap3A_461] {strides = array<i32>} : memref<16x1024xf32, #tpu.memory_space<vmem>>, vector<1x16xf32>,
        %swap3A_463 = vector.shape_cast %swap3A_462 : vector<1x16xf32> to vector<16xf32>
        %swap3A_464 = vector.shape_cast %add3A_459 : vector<16xf32> to vector<1x16xf32>
        tpu.vector_store %arg12[%swap3A_460, %swap3A_461], %swap3A_464 {strides = array<i32>} : memref<16x1024xf32, #tpu.memory_space<vmem>>, vector<1x16xf32>,
        %get3A_465 = arith.index_cast %scan3A_36 : i32 to index
        %get3A_466 = arith.constant 416 : index
        %get3A_467 = tpu.vector_load %arg12[%get3A_465, %get3A_466] {strides = array<i32>} : memref<16x1024xf32, #tpu.memory_space<vmem>>, vector<1x16xf32>,
        %get3A_468 = vector.shape_cast %get3A_467 : vector<1x16xf32> to vector<16xf32>
        %mul3A_469 = arith.mulf %get3A_42, %get3A_468 : vector<16xf32>
        %get3A_470 = arith.index_cast %scan3A_36 : i32 to index
        %get3A_471 = arith.constant 416 : index
        %get3A_472 = tpu.vector_load %arg13[%get3A_470, %get3A_471] {strides = array<i32>} : memref<16x1024xf32, #tpu.memory_space<vmem>>, vector<1x16xf32>,
        %get3A_473 = vector.shape_cast %get3A_472 : vector<1x16xf32> to vector<16xf32>
        %mul3A_474 = arith.mulf %get3A_49, %get3A_473 : vector<16xf32>
        %add3A_475 = arith.addf %mul3A_469, %mul3A_474 : vector<16xf32>
        %swap3A_476 = arith.index_cast %scan3A_36 : i32 to index
        %swap3A_477 = arith.constant 416 : index
        %swap3A_478 = tpu.vector_load %arg12[%swap3A_476, %swap3A_477] {strides = array<i32>} : memref<16x1024xf32, #tpu.memory_space<vmem>>, vector<1x16xf32>,
        %swap3A_479 = vector.shape_cast %swap3A_478 : vector<1x16xf32> to vector<16xf32>
        %swap3A_480 = vector.shape_cast %add3A_475 : vector<16xf32> to vector<1x16xf32>
        tpu.vector_store %arg12[%swap3A_476, %swap3A_477], %swap3A_480 {strides = array<i32>} : memref<16x1024xf32, #tpu.memory_space<vmem>>, vector<1x16xf32>,
        %get3A_481 = arith.index_cast %scan3A_36 : i32 to index
        %get3A_482 = arith.constant 432 : index
        %get3A_483 = tpu.vector_load %arg12[%get3A_481, %get3A_482] {strides = array<i32>} : memref<16x1024xf32, #tpu.memory_space<vmem>>, vector<1x16xf32>,
        %get3A_484 = vector.shape_cast %get3A_483 : vector<1x16xf32> to vector<16xf32>
        %mul3A_485 = arith.mulf %get3A_42, %get3A_484 : vector<16xf32>
        %get3A_486 = arith.index_cast %scan3A_36 : i32 to index
        %get3A_487 = arith.constant 432 : index
        %get3A_488 = tpu.vector_load %arg13[%get3A_486, %get3A_487] {strides = array<i32>} : memref<16x1024xf32, #tpu.memory_space<vmem>>, vector<1x16xf32>,
        %get3A_489 = vector.shape_cast %get3A_488 : vector<1x16xf32> to vector<16xf32>
        %mul3A_490 = arith.mulf %get3A_49, %get3A_489 : vector<16xf32>
        %add3A_491 = arith.addf %mul3A_485, %mul3A_490 : vector<16xf32>
        %swap3A_492 = arith.index_cast %scan3A_36 : i32 to index
        %swap3A_493 = arith.constant 432 : index
        %swap3A_494 = tpu.vector_load %arg12[%swap3A_492, %swap3A_493] {strides = array<i32>} : memref<16x1024xf32, #tpu.memory_space<vmem>>, vector<1x16xf32>,
        %swap3A_495 = vector.shape_cast %swap3A_494 : vector<1x16xf32> to vector<16xf32>
        %swap3A_496 = vector.shape_cast %add3A_491 : vector<16xf32> to vector<1x16xf32>
        tpu.vector_store %arg12[%swap3A_492, %swap3A_493], %swap3A_496 {strides = array<i32>} : memref<16x1024xf32, #tpu.memory_space<vmem>>, vector<1x16xf32>,
        %get3A_497 = arith.index_cast %scan3A_36 : i32 to index
        %get3A_498 = arith.constant 448 : index
        %get3A_499 = tpu.vector_load %arg12[%get3A_497, %get3A_498] {strides = array<i32>} : memref<16x1024xf32, #tpu.memory_space<vmem>>, vector<1x16xf32>,
        %get3A_500 = vector.shape_cast %get3A_499 : vector<1x16xf32> to vector<16xf32>
        %mul3A_501 = arith.mulf %get3A_42, %get3A_500 : vector<16xf32>
        %get3A_502 = arith.index_cast %scan3A_36 : i32 to index
        %get3A_503 = arith.constant 448 : index
        %get3A_504 = tpu.vector_load %arg13[%get3A_502, %get3A_503] {strides = array<i32>} : memref<16x1024xf32, #tpu.memory_space<vmem>>, vector<1x16xf32>,
        %get3A_505 = vector.shape_cast %get3A_504 : vector<1x16xf32> to vector<16xf32>
        %mul3A_506 = arith.mulf %get3A_49, %get3A_505 : vector<16xf32>
        %add3A_507 = arith.addf %mul3A_501, %mul3A_506 : vector<16xf32>
        %swap3A_508 = arith.index_cast %scan3A_36 : i32 to index
        %swap3A_509 = arith.constant 448 : index
        %swap3A_510 = tpu.vector_load %arg12[%swap3A_508, %swap3A_509] {strides = array<i32>} : memref<16x1024xf32, #tpu.memory_space<vmem>>, vector<1x16xf32>,
        %swap3A_511 = vector.shape_cast %swap3A_510 : vector<1x16xf32> to vector<16xf32>
        %swap3A_512 = vector.shape_cast %add3A_507 : vector<16xf32> to vector<1x16xf32>
        tpu.vector_store %arg12[%swap3A_508, %swap3A_509], %swap3A_512 {strides = array<i32>} : memref<16x1024xf32, #tpu.memory_space<vmem>>, vector<1x16xf32>,
        %get3A_513 = arith.index_cast %scan3A_36 : i32 to index
        %get3A_514 = arith.constant 464 : index
        %get3A_515 = tpu.vector_load %arg12[%get3A_513, %get3A_514] {strides = array<i32>} : memref<16x1024xf32, #tpu.memory_space<vmem>>, vector<1x16xf32>,
        %get3A_516 = vector.shape_cast %get3A_515 : vector<1x16xf32> to vector<16xf32>
        %mul3A_517 = arith.mulf %get3A_42, %get3A_516 : vector<16xf32>
        %get3A_518 = arith.index_cast %scan3A_36 : i32 to index
        %get3A_519 = arith.constant 464 : index
        %get3A_520 = tpu.vector_load %arg13[%get3A_518, %get3A_519] {strides = array<i32>} : memref<16x1024xf32, #tpu.memory_space<vmem>>, vector<1x16xf32>,
        %get3A_521 = vector.shape_cast %get3A_520 : vector<1x16xf32> to vector<16xf32>
        %mul3A_522 = arith.mulf %get3A_49, %get3A_521 : vector<16xf32>
        %add3A_523 = arith.addf %mul3A_517, %mul3A_522 : vector<16xf32>
        %swap3A_524 = arith.index_cast %scan3A_36 : i32 to index
        %swap3A_525 = arith.constant 464 : index
        %swap3A_526 = tpu.vector_load %arg12[%swap3A_524, %swap3A_525] {strides = array<i32>} : memref<16x1024xf32, #tpu.memory_space<vmem>>, vector<1x16xf32>,
        %swap3A_527 = vector.shape_cast %swap3A_526 : vector<1x16xf32> to vector<16xf32>
        %swap3A_528 = vector.shape_cast %add3A_523 : vector<16xf32> to vector<1x16xf32>
        tpu.vector_store %arg12[%swap3A_524, %swap3A_525], %swap3A_528 {strides = array<i32>} : memref<16x1024xf32, #tpu.memory_space<vmem>>, vector<1x16xf32>,
        %get3A_529 = arith.index_cast %scan3A_36 : i32 to index
        %get3A_530 = arith.constant 480 : index
        %get3A_531 = tpu.vector_load %arg12[%get3A_529, %get3A_530] {strides = array<i32>} : memref<16x1024xf32, #tpu.memory_space<vmem>>, vector<1x16xf32>,
        %get3A_532 = vector.shape_cast %get3A_531 : vector<1x16xf32> to vector<16xf32>
        %mul3A_533 = arith.mulf %get3A_42, %get3A_532 : vector<16xf32>
        %get3A_534 = arith.index_cast %scan3A_36 : i32 to index
        %get3A_535 = arith.constant 480 : index
        %get3A_536 = tpu.vector_load %arg13[%get3A_534, %get3A_535] {strides = array<i32>} : memref<16x1024xf32, #tpu.memory_space<vmem>>, vector<1x16xf32>,
        %get3A_537 = vector.shape_cast %get3A_536 : vector<1x16xf32> to vector<16xf32>
        %mul3A_538 = arith.mulf %get3A_49, %get3A_537 : vector<16xf32>
        %add3A_539 = arith.addf %mul3A_533, %mul3A_538 : vector<16xf32>
        %swap3A_540 = arith.index_cast %scan3A_36 : i32 to index
        %swap3A_541 = arith.constant 480 : index
        %swap3A_542 = tpu.vector_load %arg12[%swap3A_540, %swap3A_541] {strides = array<i32>} : memref<16x1024xf32, #tpu.memory_space<vmem>>, vector<1x16xf32>,
        %swap3A_543 = vector.shape_cast %swap3A_542 : vector<1x16xf32> to vector<16xf32>
        %swap3A_544 = vector.shape_cast %add3A_539 : vector<16xf32> to vector<1x16xf32>
        tpu.vector_store %arg12[%swap3A_540, %swap3A_541], %swap3A_544 {strides = array<i32>} : memref<16x1024xf32, #tpu.memory_space<vmem>>, vector<1x16xf32>,
        %get3A_545 = arith.index_cast %scan3A_36 : i32 to index
        %get3A_546 = arith.constant 496 : index
        %get3A_547 = tpu.vector_load %arg12[%get3A_545, %get3A_546] {strides = array<i32>} : memref<16x1024xf32, #tpu.memory_space<vmem>>, vector<1x16xf32>,
        %get3A_548 = vector.shape_cast %get3A_547 : vector<1x16xf32> to vector<16xf32>
        %mul3A_549 = arith.mulf %get3A_42, %get3A_548 : vector<16xf32>
        %get3A_550 = arith.index_cast %scan3A_36 : i32 to index
        %get3A_551 = arith.constant 496 : index
        %get3A_552 = tpu.vector_load %arg13[%get3A_550, %get3A_551] {strides = array<i32>} : memref<16x1024xf32, #tpu.memory_space<vmem>>, vector<1x16xf32>,
        %get3A_553 = vector.shape_cast %get3A_552 : vector<1x16xf32> to vector<16xf32>
        %mul3A_554 = arith.mulf %get3A_49, %get3A_553 : vector<16xf32>
        %add3A_555 = arith.addf %mul3A_549, %mul3A_554 : vector<16xf32>
        %swap3A_556 = arith.index_cast %scan3A_36 : i32 to index
        %swap3A_557 = arith.constant 496 : index
        %swap3A_558 = tpu.vector_load %arg12[%swap3A_556, %swap3A_557] {strides = array<i32>} : memref<16x1024xf32, #tpu.memory_space<vmem>>, vector<1x16xf32>,
        %swap3A_559 = vector.shape_cast %swap3A_558 : vector<1x16xf32> to vector<16xf32>
        %swap3A_560 = vector.shape_cast %add3A_555 : vector<16xf32> to vector<1x16xf32>
        tpu.vector_store %arg12[%swap3A_556, %swap3A_557], %swap3A_560 {strides = array<i32>} : memref<16x1024xf32, #tpu.memory_space<vmem>>, vector<1x16xf32>,
        %get3A_561 = arith.index_cast %scan3A_36 : i32 to index
        %get3A_562 = arith.constant 512 : index
        %get3A_563 = tpu.vector_load %arg12[%get3A_561, %get3A_562] {strides = array<i32>} : memref<16x1024xf32, #tpu.memory_space<vmem>>, vector<1x16xf32>,
        %get3A_564 = vector.shape_cast %get3A_563 : vector<1x16xf32> to vector<16xf32>
        %mul3A_565 = arith.mulf %get3A_42, %get3A_564 : vector<16xf32>
        %get3A_566 = arith.index_cast %scan3A_36 : i32 to index
        %get3A_567 = arith.constant 512 : index
        %get3A_568 = tpu.vector_load %arg13[%get3A_566, %get3A_567] {strides = array<i32>} : memref<16x1024xf32, #tpu.memory_space<vmem>>, vector<1x16xf32>,
        %get3A_569 = vector.shape_cast %get3A_568 : vector<1x16xf32> to vector<16xf32>
        %mul3A_570 = arith.mulf %get3A_49, %get3A_569 : vector<16xf32>
        %add3A_571 = arith.addf %mul3A_565, %mul3A_570 : vector<16xf32>
        %swap3A_572 = arith.index_cast %scan3A_36 : i32 to index
        %swap3A_573 = arith.constant 512 : index
        %swap3A_574 = tpu.vector_load %arg12[%swap3A_572, %swap3A_573] {strides = array<i32>} : memref<16x1024xf32, #tpu.memory_space<vmem>>, vector<1x16xf32>,
        %swap3A_575 = vector.shape_cast %swap3A_574 : vector<1x16xf32> to vector<16xf32>
        %swap3A_576 = vector.shape_cast %add3A_571 : vector<16xf32> to vector<1x16xf32>
        tpu.vector_store %arg12[%swap3A_572, %swap3A_573], %swap3A_576 {strides = array<i32>} : memref<16x1024xf32, #tpu.memory_space<vmem>>, vector<1x16xf32>,
        %get3A_577 = arith.index_cast %scan3A_36 : i32 to index
        %get3A_578 = arith.constant 528 : index
        %get3A_579 = tpu.vector_load %arg12[%get3A_577, %get3A_578] {strides = array<i32>} : memref<16x1024xf32, #tpu.memory_space<vmem>>, vector<1x16xf32>,
        %get3A_580 = vector.shape_cast %get3A_579 : vector<1x16xf32> to vector<16xf32>
        %mul3A_581 = arith.mulf %get3A_42, %get3A_580 : vector<16xf32>
        %get3A_582 = arith.index_cast %scan3A_36 : i32 to index
        %get3A_583 = arith.constant 528 : index
        %get3A_584 = tpu.vector_load %arg13[%get3A_582, %get3A_583] {strides = array<i32>} : memref<16x1024xf32, #tpu.memory_space<vmem>>, vector<1x16xf32>,
        %get3A_585 = vector.shape_cast %get3A_584 : vector<1x16xf32> to vector<16xf32>
        %mul3A_586 = arith.mulf %get3A_49, %get3A_585 : vector<16xf32>
        %add3A_587 = arith.addf %mul3A_581, %mul3A_586 : vector<16xf32>
        %swap3A_588 = arith.index_cast %scan3A_36 : i32 to index
        %swap3A_589 = arith.constant 528 : index
        %swap3A_590 = tpu.vector_load %arg12[%swap3A_588, %swap3A_589] {strides = array<i32>} : memref<16x1024xf32, #tpu.memory_space<vmem>>, vector<1x16xf32>,
        %swap3A_591 = vector.shape_cast %swap3A_590 : vector<1x16xf32> to vector<16xf32>
        %swap3A_592 = vector.shape_cast %add3A_587 : vector<16xf32> to vector<1x16xf32>
        tpu.vector_store %arg12[%swap3A_588, %swap3A_589], %swap3A_592 {strides = array<i32>} : memref<16x1024xf32, #tpu.memory_space<vmem>>, vector<1x16xf32>,
        %get3A_593 = arith.index_cast %scan3A_36 : i32 to index
        %get3A_594 = arith.constant 544 : index
        %get3A_595 = tpu.vector_load %arg12[%get3A_593, %get3A_594] {strides = array<i32>} : memref<16x1024xf32, #tpu.memory_space<vmem>>, vector<1x16xf32>,
        %get3A_596 = vector.shape_cast %get3A_595 : vector<1x16xf32> to vector<16xf32>
        %mul3A_597 = arith.mulf %get3A_42, %get3A_596 : vector<16xf32>
        %get3A_598 = arith.index_cast %scan3A_36 : i32 to index
        %get3A_599 = arith.constant 544 : index
        %get3A_600 = tpu.vector_load %arg13[%get3A_598, %get3A_599] {strides = array<i32>} : memref<16x1024xf32, #tpu.memory_space<vmem>>, vector<1x16xf32>,
        %get3A_601 = vector.shape_cast %get3A_600 : vector<1x16xf32> to vector<16xf32>
        %mul3A_602 = arith.mulf %get3A_49, %get3A_601 : vector<16xf32>
        %add3A_603 = arith.addf %mul3A_597, %mul3A_602 : vector<16xf32>
        %swap3A_604 = arith.index_cast %scan3A_36 : i32 to index
        %swap3A_605 = arith.constant 544 : index
        %swap3A_606 = tpu.vector_load %arg12[%swap3A_604, %swap3A_605] {strides = array<i32>} : memref<16x1024xf32, #tpu.memory_space<vmem>>, vector<1x16xf32>,
        %swap3A_607 = vector.shape_cast %swap3A_606 : vector<1x16xf32> to vector<16xf32>
        %swap3A_608 = vector.shape_cast %add3A_603 : vector<16xf32> to vector<1x16xf32>
        tpu.vector_store %arg12[%swap3A_604, %swap3A_605], %swap3A_608 {strides = array<i32>} : memref<16x1024xf32, #tpu.memory_space<vmem>>, vector<1x16xf32>,
        %get3A_609 = arith.index_cast %scan3A_36 : i32 to index
        %get3A_610 = arith.constant 560 : index
        %get3A_611 = tpu.vector_load %arg12[%get3A_609, %get3A_610] {strides = array<i32>} : memref<16x1024xf32, #tpu.memory_space<vmem>>, vector<1x16xf32>,
        %get3A_612 = vector.shape_cast %get3A_611 : vector<1x16xf32> to vector<16xf32>
        %mul3A_613 = arith.mulf %get3A_42, %get3A_612 : vector<16xf32>
        %get3A_614 = arith.index_cast %scan3A_36 : i32 to index
        %get3A_615 = arith.constant 560 : index
        %get3A_616 = tpu.vector_load %arg13[%get3A_614, %get3A_615] {strides = array<i32>} : memref<16x1024xf32, #tpu.memory_space<vmem>>, vector<1x16xf32>,
        %get3A_617 = vector.shape_cast %get3A_616 : vector<1x16xf32> to vector<16xf32>
        %mul3A_618 = arith.mulf %get3A_49, %get3A_617 : vector<16xf32>
        %add3A_619 = arith.addf %mul3A_613, %mul3A_618 : vector<16xf32>
        %swap3A_620 = arith.index_cast %scan3A_36 : i32 to index
        %swap3A_621 = arith.constant 560 : index
        %swap3A_622 = tpu.vector_load %arg12[%swap3A_620, %swap3A_621] {strides = array<i32>} : memref<16x1024xf32, #tpu.memory_space<vmem>>, vector<1x16xf32>,
        %swap3A_623 = vector.shape_cast %swap3A_622 : vector<1x16xf32> to vector<16xf32>
        %swap3A_624 = vector.shape_cast %add3A_619 : vector<16xf32> to vector<1x16xf32>
        tpu.vector_store %arg12[%swap3A_620, %swap3A_621], %swap3A_624 {strides = array<i32>} : memref<16x1024xf32, #tpu.memory_space<vmem>>, vector<1x16xf32>,
        %get3A_625 = arith.index_cast %scan3A_36 : i32 to index
        %get3A_626 = arith.constant 576 : index
        %get3A_627 = tpu.vector_load %arg12[%get3A_625, %get3A_626] {strides = array<i32>} : memref<16x1024xf32, #tpu.memory_space<vmem>>, vector<1x16xf32>,
        %get3A_628 = vector.shape_cast %get3A_627 : vector<1x16xf32> to vector<16xf32>
        %mul3A_629 = arith.mulf %get3A_42, %get3A_628 : vector<16xf32>
        %get3A_630 = arith.index_cast %scan3A_36 : i32 to index
        %get3A_631 = arith.constant 576 : index
        %get3A_632 = tpu.vector_load %arg13[%get3A_630, %get3A_631] {strides = array<i32>} : memref<16x1024xf32, #tpu.memory_space<vmem>>, vector<1x16xf32>,
        %get3A_633 = vector.shape_cast %get3A_632 : vector<1x16xf32> to vector<16xf32>
        %mul3A_634 = arith.mulf %get3A_49, %get3A_633 : vector<16xf32>
        %add3A_635 = arith.addf %mul3A_629, %mul3A_634 : vector<16xf32>
        %swap3A_636 = arith.index_cast %scan3A_36 : i32 to index
        %swap3A_637 = arith.constant 576 : index
        %swap3A_638 = tpu.vector_load %arg12[%swap3A_636, %swap3A_637] {strides = array<i32>} : memref<16x1024xf32, #tpu.memory_space<vmem>>, vector<1x16xf32>,
        %swap3A_639 = vector.shape_cast %swap3A_638 : vector<1x16xf32> to vector<16xf32>
        %swap3A_640 = vector.shape_cast %add3A_635 : vector<16xf32> to vector<1x16xf32>
        tpu.vector_store %arg12[%swap3A_636, %swap3A_637], %swap3A_640 {strides = array<i32>} : memref<16x1024xf32, #tpu.memory_space<vmem>>, vector<1x16xf32>,
        %get3A_641 = arith.index_cast %scan3A_36 : i32 to index
        %get3A_642 = arith.constant 592 : index
        %get3A_643 = tpu.vector_load %arg12[%get3A_641, %get3A_642] {strides = array<i32>} : memref<16x1024xf32, #tpu.memory_space<vmem>>, vector<1x16xf32>,
        %get3A_644 = vector.shape_cast %get3A_643 : vector<1x16xf32> to vector<16xf32>
        %mul3A_645 = arith.mulf %get3A_42, %get3A_644 : vector<16xf32>
        %get3A_646 = arith.index_cast %scan3A_36 : i32 to index
        %get3A_647 = arith.constant 592 : index
        %get3A_648 = tpu.vector_load %arg13[%get3A_646, %get3A_647] {strides = array<i32>} : memref<16x1024xf32, #tpu.memory_space<vmem>>, vector<1x16xf32>,
        %get3A_649 = vector.shape_cast %get3A_648 : vector<1x16xf32> to vector<16xf32>
        %mul3A_650 = arith.mulf %get3A_49, %get3A_649 : vector<16xf32>
        %add3A_651 = arith.addf %mul3A_645, %mul3A_650 : vector<16xf32>
        %swap3A_652 = arith.index_cast %scan3A_36 : i32 to index
        %swap3A_653 = arith.constant 592 : index
        %swap3A_654 = tpu.vector_load %arg12[%swap3A_652, %swap3A_653] {strides = array<i32>} : memref<16x1024xf32, #tpu.memory_space<vmem>>, vector<1x16xf32>,
        %swap3A_655 = vector.shape_cast %swap3A_654 : vector<1x16xf32> to vector<16xf32>
        %swap3A_656 = vector.shape_cast %add3A_651 : vector<16xf32> to vector<1x16xf32>
        tpu.vector_store %arg12[%swap3A_652, %swap3A_653], %swap3A_656 {strides = array<i32>} : memref<16x1024xf32, #tpu.memory_space<vmem>>, vector<1x16xf32>,
        %get3A_657 = arith.index_cast %scan3A_36 : i32 to index
        %get3A_658 = arith.constant 608 : index
        %get3A_659 = tpu.vector_load %arg12[%get3A_657, %get3A_658] {strides = array<i32>} : memref<16x1024xf32, #tpu.memory_space<vmem>>, vector<1x16xf32>,
        %get3A_660 = vector.shape_cast %get3A_659 : vector<1x16xf32> to vector<16xf32>
        %mul3A_661 = arith.mulf %get3A_42, %get3A_660 : vector<16xf32>
        %get3A_662 = arith.index_cast %scan3A_36 : i32 to index
        %get3A_663 = arith.constant 608 : index
        %get3A_664 = tpu.vector_load %arg13[%get3A_662, %get3A_663] {strides = array<i32>} : memref<16x1024xf32, #tpu.memory_space<vmem>>, vector<1x16xf32>,
        %get3A_665 = vector.shape_cast %get3A_664 : vector<1x16xf32> to vector<16xf32>
        %mul3A_666 = arith.mulf %get3A_49, %get3A_665 : vector<16xf32>
        %add3A_667 = arith.addf %mul3A_661, %mul3A_666 : vector<16xf32>
        %swap3A_668 = arith.index_cast %scan3A_36 : i32 to index
        %swap3A_669 = arith.constant 608 : index
        %swap3A_670 = tpu.vector_load %arg12[%swap3A_668, %swap3A_669] {strides = array<i32>} : memref<16x1024xf32, #tpu.memory_space<vmem>>, vector<1x16xf32>,
        %swap3A_671 = vector.shape_cast %swap3A_670 : vector<1x16xf32> to vector<16xf32>
        %swap3A_672 = vector.shape_cast %add3A_667 : vector<16xf32> to vector<1x16xf32>
        tpu.vector_store %arg12[%swap3A_668, %swap3A_669], %swap3A_672 {strides = array<i32>} : memref<16x1024xf32, #tpu.memory_space<vmem>>, vector<1x16xf32>,
        %get3A_673 = arith.index_cast %scan3A_36 : i32 to index
        %get3A_674 = arith.constant 624 : index
        %get3A_675 = tpu.vector_load %arg12[%get3A_673, %get3A_674] {strides = array<i32>} : memref<16x1024xf32, #tpu.memory_space<vmem>>, vector<1x16xf32>,
        %get3A_676 = vector.shape_cast %get3A_675 : vector<1x16xf32> to vector<16xf32>
        %mul3A_677 = arith.mulf %get3A_42, %get3A_676 : vector<16xf32>
        %get3A_678 = arith.index_cast %scan3A_36 : i32 to index
        %get3A_679 = arith.constant 624 : index
        %get3A_680 = tpu.vector_load %arg13[%get3A_678, %get3A_679] {strides = array<i32>} : memref<16x1024xf32, #tpu.memory_space<vmem>>, vector<1x16xf32>,
        %get3A_681 = vector.shape_cast %get3A_680 : vector<1x16xf32> to vector<16xf32>
        %mul3A_682 = arith.mulf %get3A_49, %get3A_681 : vector<16xf32>
        %add3A_683 = arith.addf %mul3A_677, %mul3A_682 : vector<16xf32>
        %swap3A_684 = arith.index_cast %scan3A_36 : i32 to index
        %swap3A_685 = arith.constant 624 : index
        %swap3A_686 = tpu.vector_load %arg12[%swap3A_684, %swap3A_685] {strides = array<i32>} : memref<16x1024xf32, #tpu.memory_space<vmem>>, vector<1x16xf32>,
        %swap3A_687 = vector.shape_cast %swap3A_686 : vector<1x16xf32> to vector<16xf32>
        %swap3A_688 = vector.shape_cast %add3A_683 : vector<16xf32> to vector<1x16xf32>
        tpu.vector_store %arg12[%swap3A_684, %swap3A_685], %swap3A_688 {strides = array<i32>} : memref<16x1024xf32, #tpu.memory_space<vmem>>, vector<1x16xf32>,
        %get3A_689 = arith.index_cast %scan3A_36 : i32 to index
        %get3A_690 = arith.constant 640 : index
        %get3A_691 = tpu.vector_load %arg12[%get3A_689, %get3A_690] {strides = array<i32>} : memref<16x1024xf32, #tpu.memory_space<vmem>>, vector<1x16xf32>,
        %get3A_692 = vector.shape_cast %get3A_691 : vector<1x16xf32> to vector<16xf32>
        %mul3A_693 = arith.mulf %get3A_42, %get3A_692 : vector<16xf32>
        %get3A_694 = arith.index_cast %scan3A_36 : i32 to index
        %get3A_695 = arith.constant 640 : index
        %get3A_696 = tpu.vector_load %arg13[%get3A_694, %get3A_695] {strides = array<i32>} : memref<16x1024xf32, #tpu.memory_space<vmem>>, vector<1x16xf32>,
        %get3A_697 = vector.shape_cast %get3A_696 : vector<1x16xf32> to vector<16xf32>
        %mul3A_698 = arith.mulf %get3A_49, %get3A_697 : vector<16xf32>
        %add3A_699 = arith.addf %mul3A_693, %mul3A_698 : vector<16xf32>
        %swap3A_700 = arith.index_cast %scan3A_36 : i32 to index
        %swap3A_701 = arith.constant 640 : index
        %swap3A_702 = tpu.vector_load %arg12[%swap3A_700, %swap3A_701] {strides = array<i32>} : memref<16x1024xf32, #tpu.memory_space<vmem>>, vector<1x16xf32>,
        %swap3A_703 = vector.shape_cast %swap3A_702 : vector<1x16xf32> to vector<16xf32>
        %swap3A_704 = vector.shape_cast %add3A_699 : vector<16xf32> to vector<1x16xf32>
        tpu.vector_store %arg12[%swap3A_700, %swap3A_701], %swap3A_704 {strides = array<i32>} : memref<16x1024xf32, #tpu.memory_space<vmem>>, vector<1x16xf32>,
        %get3A_705 = arith.index_cast %scan3A_36 : i32 to index
        %get3A_706 = arith.constant 656 : index
        %get3A_707 = tpu.vector_load %arg12[%get3A_705, %get3A_706] {strides = array<i32>} : memref<16x1024xf32, #tpu.memory_space<vmem>>, vector<1x16xf32>,
        %get3A_708 = vector.shape_cast %get3A_707 : vector<1x16xf32> to vector<16xf32>
        %mul3A_709 = arith.mulf %get3A_42, %get3A_708 : vector<16xf32>
        %get3A_710 = arith.index_cast %scan3A_36 : i32 to index
        %get3A_711 = arith.constant 656 : index
        %get3A_712 = tpu.vector_load %arg13[%get3A_710, %get3A_711] {strides = array<i32>} : memref<16x1024xf32, #tpu.memory_space<vmem>>, vector<1x16xf32>,
        %get3A_713 = vector.shape_cast %get3A_712 : vector<1x16xf32> to vector<16xf32>
        %mul3A_714 = arith.mulf %get3A_49, %get3A_713 : vector<16xf32>
        %add3A_715 = arith.addf %mul3A_709, %mul3A_714 : vector<16xf32>
        %swap3A_716 = arith.index_cast %scan3A_36 : i32 to index
        %swap3A_717 = arith.constant 656 : index
        %swap3A_718 = tpu.vector_load %arg12[%swap3A_716, %swap3A_717] {strides = array<i32>} : memref<16x1024xf32, #tpu.memory_space<vmem>>, vector<1x16xf32>,
        %swap3A_719 = vector.shape_cast %swap3A_718 : vector<1x16xf32> to vector<16xf32>
        %swap3A_720 = vector.shape_cast %add3A_715 : vector<16xf32> to vector<1x16xf32>
        tpu.vector_store %arg12[%swap3A_716, %swap3A_717], %swap3A_720 {strides = array<i32>} : memref<16x1024xf32, #tpu.memory_space<vmem>>, vector<1x16xf32>,
        %get3A_721 = arith.index_cast %scan3A_36 : i32 to index
        %get3A_722 = arith.constant 672 : index
        %get3A_723 = tpu.vector_load %arg12[%get3A_721, %get3A_722] {strides = array<i32>} : memref<16x1024xf32, #tpu.memory_space<vmem>>, vector<1x16xf32>,
        %get3A_724 = vector.shape_cast %get3A_723 : vector<1x16xf32> to vector<16xf32>
        %mul3A_725 = arith.mulf %get3A_42, %get3A_724 : vector<16xf32>
        %get3A_726 = arith.index_cast %scan3A_36 : i32 to index
        %get3A_727 = arith.constant 672 : index
        %get3A_728 = tpu.vector_load %arg13[%get3A_726, %get3A_727] {strides = array<i32>} : memref<16x1024xf32, #tpu.memory_space<vmem>>, vector<1x16xf32>,
        %get3A_729 = vector.shape_cast %get3A_728 : vector<1x16xf32> to vector<16xf32>
        %mul3A_730 = arith.mulf %get3A_49, %get3A_729 : vector<16xf32>
        %add3A_731 = arith.addf %mul3A_725, %mul3A_730 : vector<16xf32>
        %swap3A_732 = arith.index_cast %scan3A_36 : i32 to index
        %swap3A_733 = arith.constant 672 : index
        %swap3A_734 = tpu.vector_load %arg12[%swap3A_732, %swap3A_733] {strides = array<i32>} : memref<16x1024xf32, #tpu.memory_space<vmem>>, vector<1x16xf32>,
        %swap3A_735 = vector.shape_cast %swap3A_734 : vector<1x16xf32> to vector<16xf32>
        %swap3A_736 = vector.shape_cast %add3A_731 : vector<16xf32> to vector<1x16xf32>
        tpu.vector_store %arg12[%swap3A_732, %swap3A_733], %swap3A_736 {strides = array<i32>} : memref<16x1024xf32, #tpu.memory_space<vmem>>, vector<1x16xf32>,
        %get3A_737 = arith.index_cast %scan3A_36 : i32 to index
        %get3A_738 = arith.constant 688 : index
        %get3A_739 = tpu.vector_load %arg12[%get3A_737, %get3A_738] {strides = array<i32>} : memref<16x1024xf32, #tpu.memory_space<vmem>>, vector<1x16xf32>,
        %get3A_740 = vector.shape_cast %get3A_739 : vector<1x16xf32> to vector<16xf32>
        %mul3A_741 = arith.mulf %get3A_42, %get3A_740 : vector<16xf32>
        %get3A_742 = arith.index_cast %scan3A_36 : i32 to index
        %get3A_743 = arith.constant 688 : index
        %get3A_744 = tpu.vector_load %arg13[%get3A_742, %get3A_743] {strides = array<i32>} : memref<16x1024xf32, #tpu.memory_space<vmem>>, vector<1x16xf32>,
        %get3A_745 = vector.shape_cast %get3A_744 : vector<1x16xf32> to vector<16xf32>
        %mul3A_746 = arith.mulf %get3A_49, %get3A_745 : vector<16xf32>
        %add3A_747 = arith.addf %mul3A_741, %mul3A_746 : vector<16xf32>
        %swap3A_748 = arith.index_cast %scan3A_36 : i32 to index
        %swap3A_749 = arith.constant 688 : index
        %swap3A_750 = tpu.vector_load %arg12[%swap3A_748, %swap3A_749] {strides = array<i32>} : memref<16x1024xf32, #tpu.memory_space<vmem>>, vector<1x16xf32>,
        %swap3A_751 = vector.shape_cast %swap3A_750 : vector<1x16xf32> to vector<16xf32>
        %swap3A_752 = vector.shape_cast %add3A_747 : vector<16xf32> to vector<1x16xf32>
        tpu.vector_store %arg12[%swap3A_748, %swap3A_749], %swap3A_752 {strides = array<i32>} : memref<16x1024xf32, #tpu.memory_space<vmem>>, vector<1x16xf32>,
        %get3A_753 = arith.index_cast %scan3A_36 : i32 to index
        %get3A_754 = arith.constant 704 : index
        %get3A_755 = tpu.vector_load %arg12[%get3A_753, %get3A_754] {strides = array<i32>} : memref<16x1024xf32, #tpu.memory_space<vmem>>, vector<1x16xf32>,
        %get3A_756 = vector.shape_cast %get3A_755 : vector<1x16xf32> to vector<16xf32>
        %mul3A_757 = arith.mulf %get3A_42, %get3A_756 : vector<16xf32>
        %get3A_758 = arith.index_cast %scan3A_36 : i32 to index
        %get3A_759 = arith.constant 704 : index
        %get3A_760 = tpu.vector_load %arg13[%get3A_758, %get3A_759] {strides = array<i32>} : memref<16x1024xf32, #tpu.memory_space<vmem>>, vector<1x16xf32>,
        %get3A_761 = vector.shape_cast %get3A_760 : vector<1x16xf32> to vector<16xf32>
        %mul3A_762 = arith.mulf %get3A_49, %get3A_761 : vector<16xf32>
        %add3A_763 = arith.addf %mul3A_757, %mul3A_762 : vector<16xf32>
        %swap3A_764 = arith.index_cast %scan3A_36 : i32 to index
        %swap3A_765 = arith.constant 704 : index
        %swap3A_766 = tpu.vector_load %arg12[%swap3A_764, %swap3A_765] {strides = array<i32>} : memref<16x1024xf32, #tpu.memory_space<vmem>>, vector<1x16xf32>,
        %swap3A_767 = vector.shape_cast %swap3A_766 : vector<1x16xf32> to vector<16xf32>
        %swap3A_768 = vector.shape_cast %add3A_763 : vector<16xf32> to vector<1x16xf32>
        tpu.vector_store %arg12[%swap3A_764, %swap3A_765], %swap3A_768 {strides = array<i32>} : memref<16x1024xf32, #tpu.memory_space<vmem>>, vector<1x16xf32>,
        %get3A_769 = arith.index_cast %scan3A_36 : i32 to index
        %get3A_770 = arith.constant 720 : index
        %get3A_771 = tpu.vector_load %arg12[%get3A_769, %get3A_770] {strides = array<i32>} : memref<16x1024xf32, #tpu.memory_space<vmem>>, vector<1x16xf32>,
        %get3A_772 = vector.shape_cast %get3A_771 : vector<1x16xf32> to vector<16xf32>
        %mul3A_773 = arith.mulf %get3A_42, %get3A_772 : vector<16xf32>
        %get3A_774 = arith.index_cast %scan3A_36 : i32 to index
        %get3A_775 = arith.constant 720 : index
        %get3A_776 = tpu.vector_load %arg13[%get3A_774, %get3A_775] {strides = array<i32>} : memref<16x1024xf32, #tpu.memory_space<vmem>>, vector<1x16xf32>,
        %get3A_777 = vector.shape_cast %get3A_776 : vector<1x16xf32> to vector<16xf32>
        %mul3A_778 = arith.mulf %get3A_49, %get3A_777 : vector<16xf32>
        %add3A_779 = arith.addf %mul3A_773, %mul3A_778 : vector<16xf32>
        %swap3A_780 = arith.index_cast %scan3A_36 : i32 to index
        %swap3A_781 = arith.constant 720 : index
        %swap3A_782 = tpu.vector_load %arg12[%swap3A_780, %swap3A_781] {strides = array<i32>} : memref<16x1024xf32, #tpu.memory_space<vmem>>, vector<1x16xf32>,
        %swap3A_783 = vector.shape_cast %swap3A_782 : vector<1x16xf32> to vector<16xf32>
        %swap3A_784 = vector.shape_cast %add3A_779 : vector<16xf32> to vector<1x16xf32>
        tpu.vector_store %arg12[%swap3A_780, %swap3A_781], %swap3A_784 {strides = array<i32>} : memref<16x1024xf32, #tpu.memory_space<vmem>>, vector<1x16xf32>,
        %get3A_785 = arith.index_cast %scan3A_36 : i32 to index
        %get3A_786 = arith.constant 736 : index
        %get3A_787 = tpu.vector_load %arg12[%get3A_785, %get3A_786] {strides = array<i32>} : memref<16x1024xf32, #tpu.memory_space<vmem>>, vector<1x16xf32>,
        %get3A_788 = vector.shape_cast %get3A_787 : vector<1x16xf32> to vector<16xf32>
        %mul3A_789 = arith.mulf %get3A_42, %get3A_788 : vector<16xf32>
        %get3A_790 = arith.index_cast %scan3A_36 : i32 to index
        %get3A_791 = arith.constant 736 : index
        %get3A_792 = tpu.vector_load %arg13[%get3A_790, %get3A_791] {strides = array<i32>} : memref<16x1024xf32, #tpu.memory_space<vmem>>, vector<1x16xf32>,
        %get3A_793 = vector.shape_cast %get3A_792 : vector<1x16xf32> to vector<16xf32>
        %mul3A_794 = arith.mulf %get3A_49, %get3A_793 : vector<16xf32>
        %add3A_795 = arith.addf %mul3A_789, %mul3A_794 : vector<16xf32>
        %swap3A_796 = arith.index_cast %scan3A_36 : i32 to index
        %swap3A_797 = arith.constant 736 : index
        %swap3A_798 = tpu.vector_load %arg12[%swap3A_796, %swap3A_797] {strides = array<i32>} : memref<16x1024xf32, #tpu.memory_space<vmem>>, vector<1x16xf32>,
        %swap3A_799 = vector.shape_cast %swap3A_798 : vector<1x16xf32> to vector<16xf32>
        %swap3A_800 = vector.shape_cast %add3A_795 : vector<16xf32> to vector<1x16xf32>
        tpu.vector_store %arg12[%swap3A_796, %swap3A_797], %swap3A_800 {strides = array<i32>} : memref<16x1024xf32, #tpu.memory_space<vmem>>, vector<1x16xf32>,
        %get3A_801 = arith.index_cast %scan3A_36 : i32 to index
        %get3A_802 = arith.constant 752 : index
        %get3A_803 = tpu.vector_load %arg12[%get3A_801, %get3A_802] {strides = array<i32>} : memref<16x1024xf32, #tpu.memory_space<vmem>>, vector<1x16xf32>,
        %get3A_804 = vector.shape_cast %get3A_803 : vector<1x16xf32> to vector<16xf32>
        %mul3A_805 = arith.mulf %get3A_42, %get3A_804 : vector<16xf32>
        %get3A_806 = arith.index_cast %scan3A_36 : i32 to index
        %get3A_807 = arith.constant 752 : index
        %get3A_808 = tpu.vector_load %arg13[%get3A_806, %get3A_807] {strides = array<i32>} : memref<16x1024xf32, #tpu.memory_space<vmem>>, vector<1x16xf32>,
        %get3A_809 = vector.shape_cast %get3A_808 : vector<1x16xf32> to vector<16xf32>
        %mul3A_810 = arith.mulf %get3A_49, %get3A_809 : vector<16xf32>
        %add3A_811 = arith.addf %mul3A_805, %mul3A_810 : vector<16xf32>
        %swap3A_812 = arith.index_cast %scan3A_36 : i32 to index
        %swap3A_813 = arith.constant 752 : index
        %swap3A_814 = tpu.vector_load %arg12[%swap3A_812, %swap3A_813] {strides = array<i32>} : memref<16x1024xf32, #tpu.memory_space<vmem>>, vector<1x16xf32>,
        %swap3A_815 = vector.shape_cast %swap3A_814 : vector<1x16xf32> to vector<16xf32>
        %swap3A_816 = vector.shape_cast %add3A_811 : vector<16xf32> to vector<1x16xf32>
        tpu.vector_store %arg12[%swap3A_812, %swap3A_813], %swap3A_816 {strides = array<i32>} : memref<16x1024xf32, #tpu.memory_space<vmem>>, vector<1x16xf32>,
        %get3A_817 = arith.index_cast %scan3A_36 : i32 to index
        %get3A_818 = arith.constant 768 : index
        %get3A_819 = tpu.vector_load %arg12[%get3A_817, %get3A_818] {strides = array<i32>} : memref<16x1024xf32, #tpu.memory_space<vmem>>, vector<1x16xf32>,
        %get3A_820 = vector.shape_cast %get3A_819 : vector<1x16xf32> to vector<16xf32>
        %mul3A_821 = arith.mulf %get3A_42, %get3A_820 : vector<16xf32>
        %get3A_822 = arith.index_cast %scan3A_36 : i32 to index
        %get3A_823 = arith.constant 768 : index
        %get3A_824 = tpu.vector_load %arg13[%get3A_822, %get3A_823] {strides = array<i32>} : memref<16x1024xf32, #tpu.memory_space<vmem>>, vector<1x16xf32>,
        %get3A_825 = vector.shape_cast %get3A_824 : vector<1x16xf32> to vector<16xf32>
        %mul3A_826 = arith.mulf %get3A_49, %get3A_825 : vector<16xf32>
        %add3A_827 = arith.addf %mul3A_821, %mul3A_826 : vector<16xf32>
        %swap3A_828 = arith.index_cast %scan3A_36 : i32 to index
        %swap3A_829 = arith.constant 768 : index
        %swap3A_830 = tpu.vector_load %arg12[%swap3A_828, %swap3A_829] {strides = array<i32>} : memref<16x1024xf32, #tpu.memory_space<vmem>>, vector<1x16xf32>,
        %swap3A_831 = vector.shape_cast %swap3A_830 : vector<1x16xf32> to vector<16xf32>
        %swap3A_832 = vector.shape_cast %add3A_827 : vector<16xf32> to vector<1x16xf32>
        tpu.vector_store %arg12[%swap3A_828, %swap3A_829], %swap3A_832 {strides = array<i32>} : memref<16x1024xf32, #tpu.memory_space<vmem>>, vector<1x16xf32>,
        %get3A_833 = arith.index_cast %scan3A_36 : i32 to index
        %get3A_834 = arith.constant 784 : index
        %get3A_835 = tpu.vector_load %arg12[%get3A_833, %get3A_834] {strides = array<i32>} : memref<16x1024xf32, #tpu.memory_space<vmem>>, vector<1x16xf32>,
        %get3A_836 = vector.shape_cast %get3A_835 : vector<1x16xf32> to vector<16xf32>
        %mul3A_837 = arith.mulf %get3A_42, %get3A_836 : vector<16xf32>
        %get3A_838 = arith.index_cast %scan3A_36 : i32 to index
        %get3A_839 = arith.constant 784 : index
        %get3A_840 = tpu.vector_load %arg13[%get3A_838, %get3A_839] {strides = array<i32>} : memref<16x1024xf32, #tpu.memory_space<vmem>>, vector<1x16xf32>,
        %get3A_841 = vector.shape_cast %get3A_840 : vector<1x16xf32> to vector<16xf32>
        %mul3A_842 = arith.mulf %get3A_49, %get3A_841 : vector<16xf32>
        %add3A_843 = arith.addf %mul3A_837, %mul3A_842 : vector<16xf32>
        %swap3A_844 = arith.index_cast %scan3A_36 : i32 to index
        %swap3A_845 = arith.constant 784 : index
        %swap3A_846 = tpu.vector_load %arg12[%swap3A_844, %swap3A_845] {strides = array<i32>} : memref<16x1024xf32, #tpu.memory_space<vmem>>, vector<1x16xf32>,
        %swap3A_847 = vector.shape_cast %swap3A_846 : vector<1x16xf32> to vector<16xf32>
        %swap3A_848 = vector.shape_cast %add3A_843 : vector<16xf32> to vector<1x16xf32>
        tpu.vector_store %arg12[%swap3A_844, %swap3A_845], %swap3A_848 {strides = array<i32>} : memref<16x1024xf32, #tpu.memory_space<vmem>>, vector<1x16xf32>,
        %get3A_849 = arith.index_cast %scan3A_36 : i32 to index
        %get3A_850 = arith.constant 800 : index
        %get3A_851 = tpu.vector_load %arg12[%get3A_849, %get3A_850] {strides = array<i32>} : memref<16x1024xf32, #tpu.memory_space<vmem>>, vector<1x16xf32>,
        %get3A_852 = vector.shape_cast %get3A_851 : vector<1x16xf32> to vector<16xf32>
        %mul3A_853 = arith.mulf %get3A_42, %get3A_852 : vector<16xf32>
        %get3A_854 = arith.index_cast %scan3A_36 : i32 to index
        %get3A_855 = arith.constant 800 : index
        %get3A_856 = tpu.vector_load %arg13[%get3A_854, %get3A_855] {strides = array<i32>} : memref<16x1024xf32, #tpu.memory_space<vmem>>, vector<1x16xf32>,
        %get3A_857 = vector.shape_cast %get3A_856 : vector<1x16xf32> to vector<16xf32>
        %mul3A_858 = arith.mulf %get3A_49, %get3A_857 : vector<16xf32>
        %add3A_859 = arith.addf %mul3A_853, %mul3A_858 : vector<16xf32>
        %swap3A_860 = arith.index_cast %scan3A_36 : i32 to index
        %swap3A_861 = arith.constant 800 : index
        %swap3A_862 = tpu.vector_load %arg12[%swap3A_860, %swap3A_861] {strides = array<i32>} : memref<16x1024xf32, #tpu.memory_space<vmem>>, vector<1x16xf32>,
        %swap3A_863 = vector.shape_cast %swap3A_862 : vector<1x16xf32> to vector<16xf32>
        %swap3A_864 = vector.shape_cast %add3A_859 : vector<16xf32> to vector<1x16xf32>
        tpu.vector_store %arg12[%swap3A_860, %swap3A_861], %swap3A_864 {strides = array<i32>} : memref<16x1024xf32, #tpu.memory_space<vmem>>, vector<1x16xf32>,
        %get3A_865 = arith.index_cast %scan3A_36 : i32 to index
        %get3A_866 = arith.constant 816 : index
        %get3A_867 = tpu.vector_load %arg12[%get3A_865, %get3A_866] {strides = array<i32>} : memref<16x1024xf32, #tpu.memory_space<vmem>>, vector<1x16xf32>,
        %get3A_868 = vector.shape_cast %get3A_867 : vector<1x16xf32> to vector<16xf32>
        %mul3A_869 = arith.mulf %get3A_42, %get3A_868 : vector<16xf32>
        %get3A_870 = arith.index_cast %scan3A_36 : i32 to index
        %get3A_871 = arith.constant 816 : index
        %get3A_872 = tpu.vector_load %arg13[%get3A_870, %get3A_871] {strides = array<i32>} : memref<16x1024xf32, #tpu.memory_space<vmem>>, vector<1x16xf32>,
        %get3A_873 = vector.shape_cast %get3A_872 : vector<1x16xf32> to vector<16xf32>
        %mul3A_874 = arith.mulf %get3A_49, %get3A_873 : vector<16xf32>
        %add3A_875 = arith.addf %mul3A_869, %mul3A_874 : vector<16xf32>
        %swap3A_876 = arith.index_cast %scan3A_36 : i32 to index
        %swap3A_877 = arith.constant 816 : index
        %swap3A_878 = tpu.vector_load %arg12[%swap3A_876, %swap3A_877] {strides = array<i32>} : memref<16x1024xf32, #tpu.memory_space<vmem>>, vector<1x16xf32>,
        %swap3A_879 = vector.shape_cast %swap3A_878 : vector<1x16xf32> to vector<16xf32>
        %swap3A_880 = vector.shape_cast %add3A_875 : vector<16xf32> to vector<1x16xf32>
        tpu.vector_store %arg12[%swap3A_876, %swap3A_877], %swap3A_880 {strides = array<i32>} : memref<16x1024xf32, #tpu.memory_space<vmem>>, vector<1x16xf32>,
        %get3A_881 = arith.index_cast %scan3A_36 : i32 to index
        %get3A_882 = arith.constant 832 : index
        %get3A_883 = tpu.vector_load %arg12[%get3A_881, %get3A_882] {strides = array<i32>} : memref<16x1024xf32, #tpu.memory_space<vmem>>, vector<1x16xf32>,
        %get3A_884 = vector.shape_cast %get3A_883 : vector<1x16xf32> to vector<16xf32>
        %mul3A_885 = arith.mulf %get3A_42, %get3A_884 : vector<16xf32>
        %get3A_886 = arith.index_cast %scan3A_36 : i32 to index
        %get3A_887 = arith.constant 832 : index
        %get3A_888 = tpu.vector_load %arg13[%get3A_886, %get3A_887] {strides = array<i32>} : memref<16x1024xf32, #tpu.memory_space<vmem>>, vector<1x16xf32>,
        %get3A_889 = vector.shape_cast %get3A_888 : vector<1x16xf32> to vector<16xf32>
        %mul3A_890 = arith.mulf %get3A_49, %get3A_889 : vector<16xf32>
        %add3A_891 = arith.addf %mul3A_885, %mul3A_890 : vector<16xf32>
        %swap3A_892 = arith.index_cast %scan3A_36 : i32 to index
        %swap3A_893 = arith.constant 832 : index
        %swap3A_894 = tpu.vector_load %arg12[%swap3A_892, %swap3A_893] {strides = array<i32>} : memref<16x1024xf32, #tpu.memory_space<vmem>>, vector<1x16xf32>,
        %swap3A_895 = vector.shape_cast %swap3A_894 : vector<1x16xf32> to vector<16xf32>
        %swap3A_896 = vector.shape_cast %add3A_891 : vector<16xf32> to vector<1x16xf32>
        tpu.vector_store %arg12[%swap3A_892, %swap3A_893], %swap3A_896 {strides = array<i32>} : memref<16x1024xf32, #tpu.memory_space<vmem>>, vector<1x16xf32>,
        %get3A_897 = arith.index_cast %scan3A_36 : i32 to index
        %get3A_898 = arith.constant 848 : index
        %get3A_899 = tpu.vector_load %arg12[%get3A_897, %get3A_898] {strides = array<i32>} : memref<16x1024xf32, #tpu.memory_space<vmem>>, vector<1x16xf32>,
        %get3A_900 = vector.shape_cast %get3A_899 : vector<1x16xf32> to vector<16xf32>
        %mul3A_901 = arith.mulf %get3A_42, %get3A_900 : vector<16xf32>
        %get3A_902 = arith.index_cast %scan3A_36 : i32 to index
        %get3A_903 = arith.constant 848 : index
        %get3A_904 = tpu.vector_load %arg13[%get3A_902, %get3A_903] {strides = array<i32>} : memref<16x1024xf32, #tpu.memory_space<vmem>>, vector<1x16xf32>,
        %get3A_905 = vector.shape_cast %get3A_904 : vector<1x16xf32> to vector<16xf32>
        %mul3A_906 = arith.mulf %get3A_49, %get3A_905 : vector<16xf32>
        %add3A_907 = arith.addf %mul3A_901, %mul3A_906 : vector<16xf32>
        %swap3A_908 = arith.index_cast %scan3A_36 : i32 to index
        %swap3A_909 = arith.constant 848 : index
        %swap3A_910 = tpu.vector_load %arg12[%swap3A_908, %swap3A_909] {strides = array<i32>} : memref<16x1024xf32, #tpu.memory_space<vmem>>, vector<1x16xf32>,
        %swap3A_911 = vector.shape_cast %swap3A_910 : vector<1x16xf32> to vector<16xf32>
        %swap3A_912 = vector.shape_cast %add3A_907 : vector<16xf32> to vector<1x16xf32>
        tpu.vector_store %arg12[%swap3A_908, %swap3A_909], %swap3A_912 {strides = array<i32>} : memref<16x1024xf32, #tpu.memory_space<vmem>>, vector<1x16xf32>,
        %get3A_913 = arith.index_cast %scan3A_36 : i32 to index
        %get3A_914 = arith.constant 864 : index
        %get3A_915 = tpu.vector_load %arg12[%get3A_913, %get3A_914] {strides = array<i32>} : memref<16x1024xf32, #tpu.memory_space<vmem>>, vector<1x16xf32>,
        %get3A_916 = vector.shape_cast %get3A_915 : vector<1x16xf32> to vector<16xf32>
        %mul3A_917 = arith.mulf %get3A_42, %get3A_916 : vector<16xf32>
        %get3A_918 = arith.index_cast %scan3A_36 : i32 to index
        %get3A_919 = arith.constant 864 : index
        %get3A_920 = tpu.vector_load %arg13[%get3A_918, %get3A_919] {strides = array<i32>} : memref<16x1024xf32, #tpu.memory_space<vmem>>, vector<1x16xf32>,
        %get3A_921 = vector.shape_cast %get3A_920 : vector<1x16xf32> to vector<16xf32>
        %mul3A_922 = arith.mulf %get3A_49, %get3A_921 : vector<16xf32>
        %add3A_923 = arith.addf %mul3A_917, %mul3A_922 : vector<16xf32>
        %swap3A_924 = arith.index_cast %scan3A_36 : i32 to index
        %swap3A_925 = arith.constant 864 : index
        %swap3A_926 = tpu.vector_load %arg12[%swap3A_924, %swap3A_925] {strides = array<i32>} : memref<16x1024xf32, #tpu.memory_space<vmem>>, vector<1x16xf32>,
        %swap3A_927 = vector.shape_cast %swap3A_926 : vector<1x16xf32> to vector<16xf32>
        %swap3A_928 = vector.shape_cast %add3A_923 : vector<16xf32> to vector<1x16xf32>
        tpu.vector_store %arg12[%swap3A_924, %swap3A_925], %swap3A_928 {strides = array<i32>} : memref<16x1024xf32, #tpu.memory_space<vmem>>, vector<1x16xf32>,
        %get3A_929 = arith.index_cast %scan3A_36 : i32 to index
        %get3A_930 = arith.constant 880 : index
        %get3A_931 = tpu.vector_load %arg12[%get3A_929, %get3A_930] {strides = array<i32>} : memref<16x1024xf32, #tpu.memory_space<vmem>>, vector<1x16xf32>,
        %get3A_932 = vector.shape_cast %get3A_931 : vector<1x16xf32> to vector<16xf32>
        %mul3A_933 = arith.mulf %get3A_42, %get3A_932 : vector<16xf32>
        %get3A_934 = arith.index_cast %scan3A_36 : i32 to index
        %get3A_935 = arith.constant 880 : index
        %get3A_936 = tpu.vector_load %arg13[%get3A_934, %get3A_935] {strides = array<i32>} : memref<16x1024xf32, #tpu.memory_space<vmem>>, vector<1x16xf32>,
        %get3A_937 = vector.shape_cast %get3A_936 : vector<1x16xf32> to vector<16xf32>
        %mul3A_938 = arith.mulf %get3A_49, %get3A_937 : vector<16xf32>
        %add3A_939 = arith.addf %mul3A_933, %mul3A_938 : vector<16xf32>
        %swap3A_940 = arith.index_cast %scan3A_36 : i32 to index
        %swap3A_941 = arith.constant 880 : index
        %swap3A_942 = tpu.vector_load %arg12[%swap3A_940, %swap3A_941] {strides = array<i32>} : memref<16x1024xf32, #tpu.memory_space<vmem>>, vector<1x16xf32>,
        %swap3A_943 = vector.shape_cast %swap3A_942 : vector<1x16xf32> to vector<16xf32>
        %swap3A_944 = vector.shape_cast %add3A_939 : vector<16xf32> to vector<1x16xf32>
        tpu.vector_store %arg12[%swap3A_940, %swap3A_941], %swap3A_944 {strides = array<i32>} : memref<16x1024xf32, #tpu.memory_space<vmem>>, vector<1x16xf32>,
        %get3A_945 = arith.index_cast %scan3A_36 : i32 to index
        %get3A_946 = arith.constant 896 : index
        %get3A_947 = tpu.vector_load %arg12[%get3A_945, %get3A_946] {strides = array<i32>} : memref<16x1024xf32, #tpu.memory_space<vmem>>, vector<1x16xf32>,
        %get3A_948 = vector.shape_cast %get3A_947 : vector<1x16xf32> to vector<16xf32>
        %mul3A_949 = arith.mulf %get3A_42, %get3A_948 : vector<16xf32>
        %get3A_950 = arith.index_cast %scan3A_36 : i32 to index
        %get3A_951 = arith.constant 896 : index
        %get3A_952 = tpu.vector_load %arg13[%get3A_950, %get3A_951] {strides = array<i32>} : memref<16x1024xf32, #tpu.memory_space<vmem>>, vector<1x16xf32>,
        %get3A_953 = vector.shape_cast %get3A_952 : vector<1x16xf32> to vector<16xf32>
        %mul3A_954 = arith.mulf %get3A_49, %get3A_953 : vector<16xf32>
        %add3A_955 = arith.addf %mul3A_949, %mul3A_954 : vector<16xf32>
        %swap3A_956 = arith.index_cast %scan3A_36 : i32 to index
        %swap3A_957 = arith.constant 896 : index
        %swap3A_958 = tpu.vector_load %arg12[%swap3A_956, %swap3A_957] {strides = array<i32>} : memref<16x1024xf32, #tpu.memory_space<vmem>>, vector<1x16xf32>,
        %swap3A_959 = vector.shape_cast %swap3A_958 : vector<1x16xf32> to vector<16xf32>
        %swap3A_960 = vector.shape_cast %add3A_955 : vector<16xf32> to vector<1x16xf32>
        tpu.vector_store %arg12[%swap3A_956, %swap3A_957], %swap3A_960 {strides = array<i32>} : memref<16x1024xf32, #tpu.memory_space<vmem>>, vector<1x16xf32>,
        %get3A_961 = arith.index_cast %scan3A_36 : i32 to index
        %get3A_962 = arith.constant 912 : index
        %get3A_963 = tpu.vector_load %arg12[%get3A_961, %get3A_962] {strides = array<i32>} : memref<16x1024xf32, #tpu.memory_space<vmem>>, vector<1x16xf32>,
        %get3A_964 = vector.shape_cast %get3A_963 : vector<1x16xf32> to vector<16xf32>
        %mul3A_965 = arith.mulf %get3A_42, %get3A_964 : vector<16xf32>
        %get3A_966 = arith.index_cast %scan3A_36 : i32 to index
        %get3A_967 = arith.constant 912 : index
        %get3A_968 = tpu.vector_load %arg13[%get3A_966, %get3A_967] {strides = array<i32>} : memref<16x1024xf32, #tpu.memory_space<vmem>>, vector<1x16xf32>,
        %get3A_969 = vector.shape_cast %get3A_968 : vector<1x16xf32> to vector<16xf32>
        %mul3A_970 = arith.mulf %get3A_49, %get3A_969 : vector<16xf32>
        %add3A_971 = arith.addf %mul3A_965, %mul3A_970 : vector<16xf32>
        %swap3A_972 = arith.index_cast %scan3A_36 : i32 to index
        %swap3A_973 = arith.constant 912 : index
        %swap3A_974 = tpu.vector_load %arg12[%swap3A_972, %swap3A_973] {strides = array<i32>} : memref<16x1024xf32, #tpu.memory_space<vmem>>, vector<1x16xf32>,
        %swap3A_975 = vector.shape_cast %swap3A_974 : vector<1x16xf32> to vector<16xf32>
        %swap3A_976 = vector.shape_cast %add3A_971 : vector<16xf32> to vector<1x16xf32>
        tpu.vector_store %arg12[%swap3A_972, %swap3A_973], %swap3A_976 {strides = array<i32>} : memref<16x1024xf32, #tpu.memory_space<vmem>>, vector<1x16xf32>,
        %get3A_977 = arith.index_cast %scan3A_36 : i32 to index
        %get3A_978 = arith.constant 928 : index
        %get3A_979 = tpu.vector_load %arg12[%get3A_977, %get3A_978] {strides = array<i32>} : memref<16x1024xf32, #tpu.memory_space<vmem>>, vector<1x16xf32>,
        %get3A_980 = vector.shape_cast %get3A_979 : vector<1x16xf32> to vector<16xf32>
        %mul3A_981 = arith.mulf %get3A_42, %get3A_980 : vector<16xf32>
        %get3A_982 = arith.index_cast %scan3A_36 : i32 to index
        %get3A_983 = arith.constant 928 : index
        %get3A_984 = tpu.vector_load %arg13[%get3A_982, %get3A_983] {strides = array<i32>} : memref<16x1024xf32, #tpu.memory_space<vmem>>, vector<1x16xf32>,
        %get3A_985 = vector.shape_cast %get3A_984 : vector<1x16xf32> to vector<16xf32>
        %mul3A_986 = arith.mulf %get3A_49, %get3A_985 : vector<16xf32>
        %add3A_987 = arith.addf %mul3A_981, %mul3A_986 : vector<16xf32>
        %swap3A_988 = arith.index_cast %scan3A_36 : i32 to index
        %swap3A_989 = arith.constant 928 : index
        %swap3A_990 = tpu.vector_load %arg12[%swap3A_988, %swap3A_989] {strides = array<i32>} : memref<16x1024xf32, #tpu.memory_space<vmem>>, vector<1x16xf32>,
        %swap3A_991 = vector.shape_cast %swap3A_990 : vector<1x16xf32> to vector<16xf32>
        %swap3A_992 = vector.shape_cast %add3A_987 : vector<16xf32> to vector<1x16xf32>
        tpu.vector_store %arg12[%swap3A_988, %swap3A_989], %swap3A_992 {strides = array<i32>} : memref<16x1024xf32, #tpu.memory_space<vmem>>, vector<1x16xf32>,
        %get3A_993 = arith.index_cast %scan3A_36 : i32 to index
        %get3A_994 = arith.constant 944 : index
        %get3A_995 = tpu.vector_load %arg12[%get3A_993, %get3A_994] {strides = array<i32>} : memref<16x1024xf32, #tpu.memory_space<vmem>>, vector<1x16xf32>,
        %get3A_996 = vector.shape_cast %get3A_995 : vector<1x16xf32> to vector<16xf32>
        %mul3A_997 = arith.mulf %get3A_42, %get3A_996 : vector<16xf32>
        %get3A_998 = arith.index_cast %scan3A_36 : i32 to index
        %get3A_999 = arith.constant 944 : index
        %get3A_1000 = tpu.vector_load %arg13[%get3A_998, %get3A_999] {strides = array<i32>} : memref<16x1024xf32, #tpu.memory_space<vmem>>, vector<1x16xf32>,
        %get3A_1001 = vector.shape_cast %get3A_1000 : vector<1x16xf32> to vector<16xf32>
        %mul3A_1002 = arith.mulf %get3A_49, %get3A_1001 : vector<16xf32>
        %add3A_1003 = arith.addf %mul3A_997, %mul3A_1002 : vector<16xf32>
        %swap3A_1004 = arith.index_cast %scan3A_36 : i32 to index
        %swap3A_1005 = arith.constant 944 : index
        %swap3A_1006 = tpu.vector_load %arg12[%swap3A_1004, %swap3A_1005] {strides = array<i32>} : memref<16x1024xf32, #tpu.memory_space<vmem>>, vector<1x16xf32>,
        %swap3A_1007 = vector.shape_cast %swap3A_1006 : vector<1x16xf32> to vector<16xf32>
        %swap3A_1008 = vector.shape_cast %add3A_1003 : vector<16xf32> to vector<1x16xf32>
        tpu.vector_store %arg12[%swap3A_1004, %swap3A_1005], %swap3A_1008 {strides = array<i32>} : memref<16x1024xf32, #tpu.memory_space<vmem>>, vector<1x16xf32>,
        %get3A_1009 = arith.index_cast %scan3A_36 : i32 to index
        %get3A_1010 = arith.constant 960 : index
        %get3A_1011 = tpu.vector_load %arg12[%get3A_1009, %get3A_1010] {strides = array<i32>} : memref<16x1024xf32, #tpu.memory_space<vmem>>, vector<1x16xf32>,
        %get3A_1012 = vector.shape_cast %get3A_1011 : vector<1x16xf32> to vector<16xf32>
        %mul3A_1013 = arith.mulf %get3A_42, %get3A_1012 : vector<16xf32>
        %get3A_1014 = arith.index_cast %scan3A_36 : i32 to index
        %get3A_1015 = arith.constant 960 : index
        %get3A_1016 = tpu.vector_load %arg13[%get3A_1014, %get3A_1015] {strides = array<i32>} : memref<16x1024xf32, #tpu.memory_space<vmem>>, vector<1x16xf32>,
        %get3A_1017 = vector.shape_cast %get3A_1016 : vector<1x16xf32> to vector<16xf32>
        %mul3A_1018 = arith.mulf %get3A_49, %get3A_1017 : vector<16xf32>
        %add3A_1019 = arith.addf %mul3A_1013, %mul3A_1018 : vector<16xf32>
        %swap3A_1020 = arith.index_cast %scan3A_36 : i32 to index
        %swap3A_1021 = arith.constant 960 : index
        %swap3A_1022 = tpu.vector_load %arg12[%swap3A_1020, %swap3A_1021] {strides = array<i32>} : memref<16x1024xf32, #tpu.memory_space<vmem>>, vector<1x16xf32>,
        %swap3A_1023 = vector.shape_cast %swap3A_1022 : vector<1x16xf32> to vector<16xf32>
        %swap3A_1024 = vector.shape_cast %add3A_1019 : vector<16xf32> to vector<1x16xf32>
        tpu.vector_store %arg12[%swap3A_1020, %swap3A_1021], %swap3A_1024 {strides = array<i32>} : memref<16x1024xf32, #tpu.memory_space<vmem>>, vector<1x16xf32>,
        %get3A_1025 = arith.index_cast %scan3A_36 : i32 to index
        %get3A_1026 = arith.constant 976 : index
        %get3A_1027 = tpu.vector_load %arg12[%get3A_1025, %get3A_1026] {strides = array<i32>} : memref<16x1024xf32, #tpu.memory_space<vmem>>, vector<1x16xf32>,
        %get3A_1028 = vector.shape_cast %get3A_1027 : vector<1x16xf32> to vector<16xf32>
        %mul3A_1029 = arith.mulf %get3A_42, %get3A_1028 : vector<16xf32>
        %get3A_1030 = arith.index_cast %scan3A_36 : i32 to index
        %get3A_1031 = arith.constant 976 : index
        %get3A_1032 = tpu.vector_load %arg13[%get3A_1030, %get3A_1031] {strides = array<i32>} : memref<16x1024xf32, #tpu.memory_space<vmem>>, vector<1x16xf32>,
        %get3A_1033 = vector.shape_cast %get3A_1032 : vector<1x16xf32> to vector<16xf32>
        %mul3A_1034 = arith.mulf %get3A_49, %get3A_1033 : vector<16xf32>
        %add3A_1035 = arith.addf %mul3A_1029, %mul3A_1034 : vector<16xf32>
        %swap3A_1036 = arith.index_cast %scan3A_36 : i32 to index
        %swap3A_1037 = arith.constant 976 : index
        %swap3A_1038 = tpu.vector_load %arg12[%swap3A_1036, %swap3A_1037] {strides = array<i32>} : memref<16x1024xf32, #tpu.memory_space<vmem>>, vector<1x16xf32>,
        %swap3A_1039 = vector.shape_cast %swap3A_1038 : vector<1x16xf32> to vector<16xf32>
        %swap3A_1040 = vector.shape_cast %add3A_1035 : vector<16xf32> to vector<1x16xf32>
        tpu.vector_store %arg12[%swap3A_1036, %swap3A_1037], %swap3A_1040 {strides = array<i32>} : memref<16x1024xf32, #tpu.memory_space<vmem>>, vector<1x16xf32>,
        %get3A_1041 = arith.index_cast %scan3A_36 : i32 to index
        %get3A_1042 = arith.constant 992 : index
        %get3A_1043 = tpu.vector_load %arg12[%get3A_1041, %get3A_1042] {strides = array<i32>} : memref<16x1024xf32, #tpu.memory_space<vmem>>, vector<1x16xf32>,
        %get3A_1044 = vector.shape_cast %get3A_1043 : vector<1x16xf32> to vector<16xf32>
        %mul3A_1045 = arith.mulf %get3A_42, %get3A_1044 : vector<16xf32>
        %get3A_1046 = arith.index_cast %scan3A_36 : i32 to index
        %get3A_1047 = arith.constant 992 : index
        %get3A_1048 = tpu.vector_load %arg13[%get3A_1046, %get3A_1047] {strides = array<i32>} : memref<16x1024xf32, #tpu.memory_space<vmem>>, vector<1x16xf32>,
        %get3A_1049 = vector.shape_cast %get3A_1048 : vector<1x16xf32> to vector<16xf32>
        %mul3A_1050 = arith.mulf %get3A_49, %get3A_1049 : vector<16xf32>
        %add3A_1051 = arith.addf %mul3A_1045, %mul3A_1050 : vector<16xf32>
        %swap3A_1052 = arith.index_cast %scan3A_36 : i32 to index
        %swap3A_1053 = arith.constant 992 : index
        %swap3A_1054 = tpu.vector_load %arg12[%swap3A_1052, %swap3A_1053] {strides = array<i32>} : memref<16x1024xf32, #tpu.memory_space<vmem>>, vector<1x16xf32>,
        %swap3A_1055 = vector.shape_cast %swap3A_1054 : vector<1x16xf32> to vector<16xf32>
        %swap3A_1056 = vector.shape_cast %add3A_1051 : vector<16xf32> to vector<1x16xf32>
        tpu.vector_store %arg12[%swap3A_1052, %swap3A_1053], %swap3A_1056 {strides = array<i32>} : memref<16x1024xf32, #tpu.memory_space<vmem>>, vector<1x16xf32>,
        %get3A_1057 = arith.index_cast %scan3A_36 : i32 to index
        %get3A_1058 = arith.constant 1008 : index
        %get3A_1059 = tpu.vector_load %arg12[%get3A_1057, %get3A_1058] {strides = array<i32>} : memref<16x1024xf32, #tpu.memory_space<vmem>>, vector<1x16xf32>,
        %get3A_1060 = vector.shape_cast %get3A_1059 : vector<1x16xf32> to vector<16xf32>
        %mul3A_1061 = arith.mulf %get3A_42, %get3A_1060 : vector<16xf32>
        %get3A_1062 = arith.index_cast %scan3A_36 : i32 to index
        %get3A_1063 = arith.constant 1008 : index
        %get3A_1064 = tpu.vector_load %arg13[%get3A_1062, %get3A_1063] {strides = array<i32>} : memref<16x1024xf32, #tpu.memory_space<vmem>>, vector<1x16xf32>,
        %get3A_1065 = vector.shape_cast %get3A_1064 : vector<1x16xf32> to vector<16xf32>
        %mul3A_1066 = arith.mulf %get3A_49, %get3A_1065 : vector<16xf32>
        %add3A_1067 = arith.addf %mul3A_1061, %mul3A_1066 : vector<16xf32>
        %swap3A_1068 = arith.index_cast %scan3A_36 : i32 to index
        %swap3A_1069 = arith.constant 1008 : index
        %swap3A_1070 = tpu.vector_load %arg12[%swap3A_1068, %swap3A_1069] {strides = array<i32>} : memref<16x1024xf32, #tpu.memory_space<vmem>>, vector<1x16xf32>,
        %swap3A_1071 = vector.shape_cast %swap3A_1070 : vector<1x16xf32> to vector<16xf32>
        %swap3A_1072 = vector.shape_cast %add3A_1067 : vector<16xf32> to vector<1x16xf32>
        tpu.vector_store %arg12[%swap3A_1068, %swap3A_1069], %swap3A_1072 {strides = array<i32>} : memref<16x1024xf32, #tpu.memory_space<vmem>>, vector<1x16xf32>,
      }
      %scan3A_32 = arith.constant 16 : i32
      %mul3A_33 = arith.constant 16 : i32
      %mul3A_34 = arith.muli %scan3A_8, %mul3A_33 : i32
      %add3A_35 = arith.addi %mul3A_2, %mul3A_34 : i32
      "tpu.region"() ({
        %run_scoped3A = tpu.sem_alloc : memref<!tpu.dma_semaphore, #tpu.memory_space<semaphore_mem>>
        %dma_start3A_36 = arith.constant 0 : i32
        %dma_start3A_37 = tpu.memref_slice %arg7[%add3A_35, %dma_start3A_36] : memref<8192x1024xf32, #tpu.memory_space<hbm>> -> memref<16x1024xf32, #tpu.memory_space<hbm>>
        %dma_start3A_38 = arith.constant 0 : i32
        %dma_start3A_39 = tpu.memref_slice %arg7[%add3A_35, %dma_start3A_38] : memref<8192x1024xf32, #tpu.memory_space<hbm>> -> memref<16x1024xf32, #tpu.memory_space<hbm>>
        tpu.enqueue_dma source(%arg12 : memref<16x1024xf32, #tpu.memory_space<vmem>>) target(%dma_start3A_39 : memref<16x1024xf32, #tpu.memory_space<hbm>>) target_semaphore(%run_scoped3A : memref<!tpu.dma_semaphore, #tpu.memory_space<semaphore_mem>>)
        %dma_wait3A_40 = arith.constant 0 : i32
        %dma_wait3A_41 = tpu.memref_slice %arg7[%add3A_35, %dma_wait3A_40] : memref<8192x1024xf32, #tpu.memory_space<hbm>> -> memref<16x1024xf32, #tpu.memory_space<hbm>>
        %dma_wait3A_42 = arith.constant 0 : i32
        %dma_wait3A_43 = tpu.memref_slice %arg7[%add3A_35, %dma_wait3A_42] : memref<8192x1024xf32, #tpu.memory_space<hbm>> -> memref<16x1024xf32, #tpu.memory_space<hbm>>
        tpu.wait_dma2 semaphore(%run_scoped3A : memref<!tpu.dma_semaphore, #tpu.memory_space<semaphore_mem>>) src(%arg12 : memref<16x1024xf32, #tpu.memory_space<vmem>>) dst(%dma_wait3A_43 : memref<16x1024xf32, #tpu.memory_space<hbm>>)
        tpu.yield
      }) : () -> ()
    }
    %scan3A_7 = arith.constant 16 : i32
    return
  }
}

module attributes {stable_mosaic.version = 14 : i64} {
  func.func @_router_body(%arg0: i32, %arg1: memref<1024x1024xf32, #tpu.memory_space<vmem>>, %arg2: memref<64x1024xf32, #tpu.memory_space<vmem>>, %arg3: memref<1024x2xi32, #tpu.memory_space<vmem>>, %arg4: memref<1024x2xf32, #tpu.memory_space<vmem>>) attributes {dimension_semantics = [#tpu.dimension_semantics<arbitrary>], iteration_bounds = array<i64: 8>, scalar_prefetch = 0 : i64, scratch_operands = 0 : i64, tpu.core_type = #tpu.core_type<tc>, window_params = [{transform_indices = @transform_0, window_bounds = array<i64: 1024, 1024>}, {pipeline_mode = #tpu.pipeline_mode<synchronous>, transform_indices = @transform_1, window_bounds = array<i64: 64, 1024>}, {transform_indices = @transform_2, window_bounds = array<i64: 1024, 2>}, {transform_indices = @transform_3, window_bounds = array<i64: 1024, 2>}]} {
    %get3A = arith.constant 0 : index
    %get3A_0 = arith.constant 0 : index
    %get3A_1 = vector.load %arg1[%get3A, %get3A_0] : memref<1024x1024xf32, #tpu.memory_space<vmem>>, vector<1024x1024xf32>
    %get3A_2 = arith.constant 0 : index
    %get3A_3 = arith.constant 0 : index
    %get3A_4 = vector.load %arg2[%get3A_2, %get3A_3] : memref<64x1024xf32, #tpu.memory_space<vmem>>, vector<64x1024xf32>
    %dot_general3A = arith.constant dense<0.000000e+00> : vector<1024x64xf32>
    %dot_general3A_5 = tpu.matmul %get3A_1, %get3A_4, %dot_general3A {dimension_numbers = #tpu.dot_dimension_numbers<[1], [1], [0], [0], [0, 0, 1, 0], [], []>, transpose_lhs_hint = false} : vector<1024x1024xf32>, vector<64x1024xf32>, vector<1024x64xf32> -> vector<1024x64xf32>
    %iota3A = tpu.iota {dimensions = array<i32: 1>} : vector<1024x64xi32>
    %reduce_max3A = arith.constant dense<0xFF800000> : vector<1024xf32>
    %reduce_max3A_6 = vector.multi_reduction <maximumf>, %dot_general3A_5, %reduce_max3A [1] : vector<1024x64xf32> to vector<1024xf32>
    %broadcast_in_dim3A = vector.shape_cast %reduce_max3A_6 : vector<1024xf32> to vector<1024x1xf32>
    %eq3A = vector.broadcast %broadcast_in_dim3A : vector<1024x1xf32> to vector<1024x64xf32>
    %eq3A_7 = arith.cmpf oeq, %dot_general3A_5, %eq3A : vector<1024x64xf32>
    %jit3A = arith.constant 64 : i32
    %broadcast_in_dim3A_8 = vector.broadcast %jit3A : i32 to vector<1024x64xi32>
    %select_n3A = arith.select %eq3A_7, %iota3A, %broadcast_in_dim3A_8 : vector<1024x64xi1>, vector<1024x64xi32>
    %reduce_min3A = arith.constant dense<2147483647> : vector<1024xi32>
    %reduce_min3A_9 = vector.multi_reduction <minsi>, %select_n3A, %reduce_min3A [1] : vector<1024x64xi32> to vector<1024xi32>
    %broadcast_in_dim3A_10 = vector.shape_cast %reduce_min3A_9 : vector<1024xi32> to vector<1024x1xi32>
    %eq3A_11 = vector.broadcast %broadcast_in_dim3A_10 : vector<1024x1xi32> to vector<1024x64xi32>
    %eq3A_12 = arith.cmpi eq, %iota3A, %eq3A_11 : vector<1024x64xi32>
    %jit3A_13 = arith.constant 0xFF800000 : f32
    %broadcast_in_dim3A_14 = vector.broadcast %jit3A_13 : f32 to vector<1024x64xf32>
    %select_n3A_15 = arith.select %eq3A_12, %broadcast_in_dim3A_14, %dot_general3A_5 : vector<1024x64xi1>, vector<1024x64xf32>
    %reduce_max3A_16 = arith.constant dense<0xFF800000> : vector<1024xf32>
    %reduce_max3A_17 = vector.multi_reduction <maximumf>, %select_n3A_15, %reduce_max3A_16 [1] : vector<1024x64xf32> to vector<1024xf32>
    %broadcast_in_dim3A_18 = vector.shape_cast %reduce_max3A_17 : vector<1024xf32> to vector<1024x1xf32>
    %eq3A_19 = vector.broadcast %broadcast_in_dim3A_18 : vector<1024x1xf32> to vector<1024x64xf32>
    %eq3A_20 = arith.cmpf oeq, %select_n3A_15, %eq3A_19 : vector<1024x64xf32>
    %jit3A_21 = arith.constant 64 : i32
    %broadcast_in_dim3A_22 = vector.broadcast %jit3A_21 : i32 to vector<1024x64xi32>
    %select_n3A_23 = arith.select %eq3A_20, %iota3A, %broadcast_in_dim3A_22 : vector<1024x64xi1>, vector<1024x64xi32>
    %reduce_min3A_24 = arith.constant dense<2147483647> : vector<1024xi32>
    %reduce_min3A_25 = vector.multi_reduction <minsi>, %select_n3A_23, %reduce_min3A_24 [1] : vector<1024x64xi32> to vector<1024xi32>
    %broadcast_in_dim3A_26 = vector.shape_cast %reduce_min3A_25 : vector<1024xi32> to vector<1024x1xi32>
    %sub3A = arith.subf %broadcast_in_dim3A, %broadcast_in_dim3A_18 : vector<1024x1xf32>
    %logistic3A = arith.negf %sub3A : vector<1024x1xf32>
    %logistic3A_27 = math.exp %logistic3A : vector<1024x1xf32>
    %logistic3A_28 = arith.constant 1.000000e+00 : f32
    %logistic3A_29 = vector.broadcast %logistic3A_28 : f32 to vector<1024x1xf32>
    %logistic3A_30 = arith.addf %logistic3A_29, %logistic3A_27 : vector<1024x1xf32>
    %logistic3A_31 = arith.divf %logistic3A_29, %logistic3A_30 : vector<1024x1xf32>
    %concatenate3A = tpu.concatenate %broadcast_in_dim3A_10, %broadcast_in_dim3A_26 in 1 : vector<1024x1xi32>, vector<1024x1xi32> -> vector<1024x2xi32>
    %swap3A = arith.constant 0 : index
    %swap3A_32 = arith.constant 0 : index
    %swap3A_33 = vector.load %arg3[%swap3A, %swap3A_32] : memref<1024x2xi32, #tpu.memory_space<vmem>>, vector<1024x2xi32>
    tpu.vector_store %arg3[%swap3A, %swap3A_32], %concatenate3A {strides = array<i32>} : memref<1024x2xi32, #tpu.memory_space<vmem>>, vector<1024x2xi32>,
    %sub3A_34 = arith.constant 1.000000e+00 : f32
    %sub3A_35 = vector.broadcast %sub3A_34 : f32 to vector<1024x1xf32>
    %sub3A_36 = arith.subf %sub3A_35, %logistic3A_31 : vector<1024x1xf32>
    %concatenate3A_37 = tpu.concatenate %logistic3A_31, %sub3A_36 in 1 : vector<1024x1xf32>, vector<1024x1xf32> -> vector<1024x2xf32>
    %swap3A_38 = arith.constant 0 : index
    %swap3A_39 = arith.constant 0 : index
    %swap3A_40 = vector.load %arg4[%swap3A_38, %swap3A_39] : memref<1024x2xf32, #tpu.memory_space<vmem>>, vector<1024x2xf32>
    tpu.vector_store %arg4[%swap3A_38, %swap3A_39], %concatenate3A_37 {strides = array<i32>} : memref<1024x2xf32, #tpu.memory_space<vmem>>, vector<1024x2xf32>,
    return
  }
  func.func @transform_0(%arg0: i32) -> (i32, i32) {
    %c0_i32 = arith.constant 0 : i32
    %c0_i32_0 = arith.constant 0 : i32
    return %arg0, %c0_i32 : i32, i32
  }
  func.func @transform_1(%arg0: i32) -> (i32, i32) {
    %c0_i32 = arith.constant 0 : i32
    %c0_i32_0 = arith.constant 0 : i32
    %c0_i32_1 = arith.constant 0 : i32
    return %c0_i32, %c0_i32_0 : i32, i32
  }
  func.func @transform_2(%arg0: i32) -> (i32, i32) {
    %c0_i32 = arith.constant 0 : i32
    %c0_i32_0 = arith.constant 0 : i32
    return %arg0, %c0_i32 : i32, i32
  }
  func.func @transform_3(%arg0: i32) -> (i32, i32) {
    %c0_i32 = arith.constant 0 : i32
    %c0_i32_0 = arith.constant 0 : i32
    return %arg0, %c0_i32 : i32, i32
  }
}

module attributes {stable_mosaic.version = 14 : i64} {
  func.func @_ffn_body(%arg0: i32, %arg1: memref<192xi32, #tpu.memory_space<smem>>, %arg2: memref<192xi32, #tpu.memory_space<smem>>, %arg3: memref<192xi32, #tpu.memory_space<smem>>, %arg4: memref<128x1024xf32, #tpu.memory_space<vmem>>, %arg5: memref<1x1024x1024xf32, #tpu.memory_space<vmem>>, %arg6: memref<1x1024x512xf32, #tpu.memory_space<vmem>>, %arg7: memref<128x1024xf32, #tpu.memory_space<vmem>>) attributes {dimension_semantics = [#tpu.dimension_semantics<arbitrary>], iteration_bounds = array<i64: 192>, scalar_prefetch = 3 : i64, scratch_operands = 0 : i64, tpu.core_type = #tpu.core_type<tc>, window_params = [{transform_indices = @transform_0, window_bounds = array<i64: 128, 1024>}, {transform_indices = @transform_1, window_bounds = array<i64: 1, 1024, 1024>}, {transform_indices = @transform_2, window_bounds = array<i64: 1, 1024, 512>}, {transform_indices = @transform_3, window_bounds = array<i64: 128, 1024>}]} {
    %get3A = arith.index_cast %arg0 : i32 to index
    %get3A_0 = memref.load %arg3[%get3A] : memref<192xi32, #tpu.memory_space<smem>>
    %gt3A = arith.constant 0 : i32
    %gt3A_1 = arith.cmpi sgt, %get3A_0, %gt3A : i32
    %convert_element_type3A = arith.extui %gt3A_1 : i1 to i32
    %cond3A = arith.constant 0 : i32
    %cond3A_2 = arith.cmpi ne, %convert_element_type3A, %cond3A : i32
    scf.if %cond3A_2 {
      %get3A_3 = arith.constant 0 : index
      %get3A_4 = arith.constant 0 : index
      %get3A_5 = vector.load %arg4[%get3A_3, %get3A_4] : memref<128x1024xf32, #tpu.memory_space<vmem>>, vector<128x1024xf32>
      %convert_element_type3A_6 = arith.truncf %get3A_5 : vector<128x1024xf32> to vector<128x1024xbf16>
      %get3A_7 = arith.constant 0 : index
      %get3A_8 = arith.constant 0 : index
      %get3A_9 = arith.constant 0 : index
      %get3A_10 = vector.load %arg5[%get3A_7, %get3A_8, %get3A_9] : memref<1x1024x1024xf32, #tpu.memory_space<vmem>>, vector<1x1024x1024xf32>
      %get3A_11 = vector.shape_cast %get3A_10 : vector<1x1024x1024xf32> to vector<1024x1024xf32>
      %convert_element_type3A_12 = arith.truncf %get3A_11 : vector<1024x1024xf32> to vector<1024x1024xbf16>
      %get3A_13 = arith.constant 0 : index
      %get3A_14 = arith.constant 0 : index
      %get3A_15 = arith.constant 0 : index
      %get3A_16 = vector.load %arg6[%get3A_13, %get3A_14, %get3A_15] : memref<1x1024x512xf32, #tpu.memory_space<vmem>>, vector<1x1024x512xf32>
      %get3A_17 = vector.shape_cast %get3A_16 : vector<1x1024x512xf32> to vector<1024x512xf32>
      %convert_element_type3A_18 = arith.truncf %get3A_17 : vector<1024x512xf32> to vector<1024x512xbf16>
      %dot_general3A = arith.constant dense<0.000000e+00> : vector<128x1024xf32>
      %dot_general3A_19 = tpu.matmul %convert_element_type3A_6, %convert_element_type3A_12, %dot_general3A {dimension_numbers = #tpu.dot_dimension_numbers<[1], [1], [0], [0], [0, 0, 1, 0], [], []>, transpose_lhs_hint = false} : vector<128x1024xbf16>, vector<1024x1024xbf16>, vector<128x1024xf32> -> vector<128x1024xf32>
      %slice3A = vector.extract_strided_slice %dot_general3A_19 {offsets = [0, 0], sizes = [128, 512], strides = [1, 1]} : vector<128x1024xf32> to vector<128x512xf32>
      %slice3A_20 = vector.extract_strided_slice %dot_general3A_19 {offsets = [0, 512], sizes = [128, 512], strides = [1, 1]} : vector<128x1024xf32> to vector<128x512xf32>
      %logistic3A = arith.negf %slice3A : vector<128x512xf32>
      %logistic3A_21 = math.exp %logistic3A : vector<128x512xf32>
      %logistic3A_22 = arith.constant 1.000000e+00 : f32
      %logistic3A_23 = vector.broadcast %logistic3A_22 : f32 to vector<128x512xf32>
      %logistic3A_24 = arith.addf %logistic3A_23, %logistic3A_21 : vector<128x512xf32>
      %logistic3A_25 = arith.divf %logistic3A_23, %logistic3A_24 : vector<128x512xf32>
      %mul3A = arith.mulf %slice3A, %logistic3A_25 : vector<128x512xf32>
      %mul3A_26 = arith.mulf %mul3A, %slice3A_20 : vector<128x512xf32>
      %convert_element_type3A_27 = arith.truncf %mul3A_26 : vector<128x512xf32> to vector<128x512xbf16>
      %dot_general3A_28 = arith.constant dense<0.000000e+00> : vector<128x1024xf32>
      %dot_general3A_29 = tpu.matmul %convert_element_type3A_27, %convert_element_type3A_18, %dot_general3A_28 {dimension_numbers = #tpu.dot_dimension_numbers<[1], [1], [0], [0], [0, 0, 1, 0], [], []>, transpose_lhs_hint = false} : vector<128x512xbf16>, vector<1024x512xbf16>, vector<128x1024xf32> -> vector<128x1024xf32>
      %swap3A = arith.constant 0 : index
      %swap3A_30 = arith.constant 0 : index
      %swap3A_31 = vector.load %arg7[%swap3A, %swap3A_30] : memref<128x1024xf32, #tpu.memory_space<vmem>>, vector<128x1024xf32>
      tpu.vector_store %arg7[%swap3A, %swap3A_30], %dot_general3A_29 {strides = array<i32>} : memref<128x1024xf32, #tpu.memory_space<vmem>>, vector<128x1024xf32>,
    } else {
    }
    return
  }
  func.func @transform_0(%arg0: i32, %arg1: memref<192xi32, #tpu.memory_space<smem>>, %arg2: memref<192xi32, #tpu.memory_space<smem>>, %arg3: memref<192xi32, #tpu.memory_space<smem>>) -> (i32, i32) {
    %get3A = arith.index_cast %arg0 : i32 to index
    %get3A_0 = memref.load %arg2[%get3A] : memref<192xi32, #tpu.memory_space<smem>>
    %c0_i32 = arith.constant 0 : i32
    %c0_i32_1 = arith.constant 0 : i32
    return %get3A_0, %c0_i32 : i32, i32
  }
  func.func @transform_1(%arg0: i32, %arg1: memref<192xi32, #tpu.memory_space<smem>>, %arg2: memref<192xi32, #tpu.memory_space<smem>>, %arg3: memref<192xi32, #tpu.memory_space<smem>>) -> (i32, i32, i32) {
    %get3A = arith.index_cast %arg0 : i32 to index
    %get3A_0 = memref.load %arg1[%get3A] : memref<192xi32, #tpu.memory_space<smem>>
    %c0_i32 = arith.constant 0 : i32
    %c0_i32_1 = arith.constant 0 : i32
    %c0_i32_2 = arith.constant 0 : i32
    return %get3A_0, %c0_i32, %c0_i32_1 : i32, i32, i32
  }
  func.func @transform_2(%arg0: i32, %arg1: memref<192xi32, #tpu.memory_space<smem>>, %arg2: memref<192xi32, #tpu.memory_space<smem>>, %arg3: memref<192xi32, #tpu.memory_space<smem>>) -> (i32, i32, i32) {
    %get3A = arith.index_cast %arg0 : i32 to index
    %get3A_0 = memref.load %arg1[%get3A] : memref<192xi32, #tpu.memory_space<smem>>
    %c0_i32 = arith.constant 0 : i32
    %c0_i32_1 = arith.constant 0 : i32
    %c0_i32_2 = arith.constant 0 : i32
    return %get3A_0, %c0_i32, %c0_i32_1 : i32, i32, i32
  }
  func.func @transform_3(%arg0: i32, %arg1: memref<192xi32, #tpu.memory_space<smem>>, %arg2: memref<192xi32, #tpu.memory_space<smem>>, %arg3: memref<192xi32, #tpu.memory_space<smem>>) -> (i32, i32) {
    %get3A = arith.index_cast %arg0 : i32 to index
    %get3A_0 = memref.load %arg2[%get3A] : memref<192xi32, #tpu.memory_space<smem>>
    %c0_i32 = arith.constant 0 : i32
    %c0_i32_1 = arith.constant 0 : i32
    return %get3A_0, %c0_i32 : i32, i32
  }
}

</mosaic_0001>

<sc_bundles>
// kernel: gather_offload_async_start.1
scs
__scs_entry_jumppad:
0x0: {  	(pc) =	sbr.rel $0x88, $3  }
0x1: {  	(tag) =	ssettag $0x0;
	lr =	simm.s32 $0x1  }
0x2: {  	[smem:$0x3F9D] =	sst lr;
	_ =	strace $0xD0000000  }
0x3: {  	_ = 	snop  }
0x4: {  	_ = 	snop  }
0x5: {  	_ = 	snop  }
0x6: {  	_ = 	snop  }
0x7: {  	_ = 	snop  }
__scs_overlays_trampoline_lowered:
0x8: {  	[smem:$0x3FAC] =	sst s0  }
0x9: {  	[smem:$0x3FAD] =	sst s1  }
0xa: {  	[smem:$0x3FAE] =	sst s2  }
0xb: {  	[smem:$0x3FAF] =	sst s3  }
0xc: {  	[smem:$0x3FB0] =	sst s4  }
0xd: {  	[smem:$0x3FB1] =	sst s5  }
0xe: {  	[smem:$0x3FB2] =	sst s6  }
0xf: {  	[smem:$0x3FB3] =	sst s7  }
0x10: {  	[smem:$0x3FB4] =	sst s8  }
0x11: {  	[smem:$0x3FB5] =	sst s9;
	s0 =	simm.s32 @!p0 $0x0  }
0x12: {  	s1 =	sld [smem:$0x3F9B];
	s0 =	simm.s32 @p0 $0x1  }
0x13: {  	[smem:$0x3FB6] =	sst s0;
	s0 =	simm.s32 @!p1 $0x0  }
0x14: {  	s2 =	sld [smem:$0x3F9A];
	s0 =	simm.s32 @p1 $0x1  }
0x15: {  	[smem:$0x3FB7] =	sst s0;
	s0 =	simm.s32 @!p2 $0x0  }
0x16: {  	s3 =	sld [smem:$0x3FDB];
	s0 =	simm.s32 @p2 $0x1  }
0x17: {  	s4 =	simm.s32 $0x1BF5;
	[smem:$0x3FB9] =	sst s0  }
0x18: {  	s0 =	sld [smem:$0x3F9C];
	_ =	swait.ge [sflag:s4], $0x0  }
0x19: {  	s7 =	sld [smem:$0x3F9D]  }
0x1a: {  	s8 =	sadd.s32 $0xFFFFE003, lr  }
0x1b: {  	s9 =	sadd.s32 $0xFFFFFEF7, lr;
	s5 =	simm.s32 $0xFFFFFFFF;
	p2 =	slt.u32 s8, $0xFFFFF086  }
0x1c: {  	p1 =	slt.u32 s9, $0xF7A;
	s5 =	simm.s32 @!p2 $0x0  }
0x1d: {  	s5 =	simm.s32 @p1 $0x1;
	p0 =	seq.s32 s7, s2  }
0x1e: {  	s7 =	smul.u32 @!p0 $0xF7A, s2;
	p2 =	seq.s32 @!p0 s5, $0x0  }
0x1f: {  	s9 =	smul.u32 $0xF7A, s1;
	s8 =	simm.s32 @!p0 $0x1BF5;
	p2 =	por !p2, p0  }
0x20: {  	[sflag:s8] =	ssyncset.s32 @!p0 $0xFFFFF086;
	s6 =	sadd.s32 @!p0 s3, s7;
	s7 =	simm.s32 @!p0 $0x108  }
0x21: {  	s3 =	sadd.s32 s3, s9;
	s6 =	sadd.s32 @!p0 $0x88, s6;
	s7 =	simm.s32 @p2 $0x1082  }
0x22: {  	[simem:s7], [sflag:s8] =	dma.local @!p0 [hbm:s6], $0xF7A  }
0x23: {  	s9 =	sor.u32 $0xD0000000, s2;
	s6 =	simm.s32 $0x108;
	_ =	swait.ge @!p0 [sflag:s8], $0x0  }
0x24: {  	s3 =	sadd.s32 $0x88, s3;
	s6 =	simm.s32 @!p1 $0x1082;
	[sflag:s4] =	ssyncset.s32 $0xFFFFF086  }
0x25: {  	[simem:s6], [sflag:s4] =	dma.local [hbm:s3], $0xF7A  }
0x26: {  	[smem:$0x3F9D] =	sst s1;
	(tag) =	ssettag s2;
	_ =	strace s9  }
0x27: {  	s1 =	sld [smem:$0x3FAD]  }
0x28: {  	s2 =	sld [smem:$0x3FAE]  }
0x29: {  	s4 =	sld [smem:$0x3FB0]  }
0x2a: {  	p0 =	seq.s32 s5, $0x0;
	s5 =	sld [smem:$0x3FB1]  }
0x2b: {  	s6 =	sld [smem:$0x3FB2]  }
0x2c: {  	s7 =	sld [smem:$0x3FB3]  }
0x2d: {  	s3 =	simm.s32 $0x108;
	s8 =	sld [smem:$0x3FB4]  }
0x2e: {  	s3 =	simm.s32 @!p0 $0x1082;
	s9 =	sld [smem:$0x3FB5]  }
0x2f: {  	lr =	sadd.s32 s0, s3;
	s0 =	sld [smem:$0x3FAC]  }
0x30: {  	s3 =	sld [smem:$0x3FAF]  }
0x31: {  	[smem:$0x3FB8] =	sst s10  }
0x32: {  	s10 =	sld [smem:$0x3FB6];
	_ =	sdelay $0x3  }
0x33: {  	p0 =	seq.s32 s10, $0x1;
	s10 =	sld [smem:$0x3FB8];
	_ =	sdelay $0x3  }
0x34: {  	[smem:$0x3FB8] =	sst s10  }
0x35: {  	s10 =	sld [smem:$0x3FB7];
	_ =	sdelay $0x3  }
0x36: {  	p1 =	seq.s32 s10, $0x1;
	s10 =	sld [smem:$0x3FB8];
	_ =	sdelay $0x3  }
0x37: {  	[smem:$0x3FB8] =	sst s10  }
0x38: {  	s10 =	sld [smem:$0x3FB9]  }
0x39: {  	_ = 	snop;
	(pc) =	sbr.ind lr, $3  }
0x3a: {  	_ = 	snop  }
0x3b: {  	_ = 	snop  }
0x3c: {  	p2 =	seq.s32 s10, $0x1;
	s10 =	sld [smem:$0x3FB8]  }
0x3d: {  	_ =	shalt  }
0x3e: {  	_ =	shalt  }
0x3f: {  	_ =	shalt  }
0x40: {  	_ =	shalt  }
0x41: {  	_ =	shalt  }
0x42: {  	_ =	shalt  }
0x43: {  	_ =	shalt  }
0x44: {  	_ =	shalt  }
0x45: {  	_ =	shalt  }
0x46: {  	_ =	shalt  }
0x47: {  	_ =	shalt  }
0x48: {  	_ =	shalt  }
0x49: {  	_ =	shalt  }
0x4a: {  	_ =	shalt  }
0x4b: {  	_ =	shalt  }
0x4c: {  	_ =	shalt  }
0x4d: {  	_ =	shalt  }
0x4e: {  	_ =	shalt  }
0x4f: {  	_ =	shalt  }
0x50: {  	_ =	shalt  }
0x51: {  	_ =	shalt  }
0x52: {  	_ =	shalt  }
0x53: {  	_ =	shalt  }
0x54: {  	_ =	shalt  }
0x55: {  	_ =	shalt  }
0x56: {  	_ =	shalt  }
0x57: {  	_ =	shalt  }
0x58: {  	_ =	shalt  }
0x59: {  	_ =	shalt  }
0x5a: {  	_ =	shalt  }
0x5b: {  	_ =	shalt  }
0x5c: {  	_ =	shalt  }
0x5d: {  	_ =	shalt  }
0x5e: {  	_ =	shalt  }
0x5f: {  	_ =	shalt  }
0x60: {  	_ =	shalt  }
0x61: {  	_ =	shalt  }
0x62: {  	_ =	shalt  }
0x63: {  	_ =	shalt  }
0x64: {  	_ =	shalt  }
0x65: {  	_ =	shalt  }
0x66: {  	_ =	shalt  }
0x67: {  	_ =	shalt  }
0x68: {  	_ =	shalt  }
0x69: {  	_ =	shalt  }
0x6a: {  	_ =	shalt  }
0x6b: {  	_ =	shalt  }
0x6c: {  	_ =	shalt  }
0x6d: {  	_ =	shalt  }
0x6e: {  	_ =	shalt  }
0x6f: {  	_ =	shalt  }
0x70: {  	_ =	shalt  }
0x71: {  	_ =	shalt  }
0x72: {  	_ =	shalt  }
0x73: {  	_ =	shalt  }
0x74: {  	_ =	shalt  }
0x75: {  	_ =	shalt  }
0x76: {  	_ =	shalt  }
0x77: {  	_ =	shalt  }
0x78: {  	_ =	shalt  }
0x79: {  	_ =	shalt  }
0x7a: {  	_ =	shalt  }
0x7b: {  	_ =	shalt  }
0x7c: {  	_ =	shalt  }
0x7d: {  	_ =	shalt  }
0x7e: {  	_ =	shalt  }
0x7f: {  	_ =	shalt  }
0x80: {  	_ =	shalt  }
0x81: {  	_ =	shalt  }
0x82: {  	_ =	shalt  }
0x83: {  	_ =	shalt  }
0x84: {  	_ =	shalt  }
0x85: {  	_ =	shalt  }
0x86: {  	_ =	shalt  }
0x87: {  	_ =	shalt  }
.Lfunc_end0:
.L_simem_size_0:
called_computation.1_lowered:
.L_overlay_start_0:
0x88: {  	s2 =	sld [smem:$0x3FD9]  }
0x89: {  	s3 =	sld [smem:$0x3FFE];
	_ =	sdelay $0x1  }
0x8a: {  	s1 =	srdreg.scid  }
0x8b: {  	s0 =	sand.u32 $0x1, s1  }
0x8c: {  	s17 =	sshll.u32 s0, $0xA;
	s2 =	sadd.s32 s3, s2  }
0x8d: {  	s2 =	sadd.s32 s2, s17  }
0x8e: {  	[smem:$0x3FC4] =	sst s2  }
0x8f: {  	_ = 	snop  }
0x90: {  	s2 =	sld [smem:$0x3FD0];
	(tm) =	ssettm $0x1  }
0x91: {  	s18 =	sld [smem:$0x3FFB];
	_ =	sdelay $0x3  }
0x92: {  	_ =	strace s18  }
0x93: {  	s3 =	sld [smem:$0x3FFC];
	_ =	sdelay $0x3  }
0x94: {  	_ =	strace s3  }
0x95: {  	s3 =	sld [smem:$0x3FFD];
	_ =	sdelay $0x3  }
0x96: {  	_ =	strace s3  }
0x97: {  	_ =	strace $0x8FFFFFFF  }
0x98: {  	s19 =	sld [smem:$0x3FDB];
	_ =	sdelay $0x1  }
0x99: {  	s4 =	simm.s32 $_scs_section_size  }
0x9a: {  	s5 =	simm.s32 $_size__tile_overlayer_lowered;
	s6 =	simm.s32 $_tile_overlayer_lowered  }
0x9b: {  	s22 =	simm.s32 $0x1BFF;
	s21 =	sshll.u32 s6, $0x1;
	s3 =	sadd.s32 s4, s19  }
0x9c: {  	s7 =	simm.s32 $0x0;
	s20 =	sshll.u32 s5, $0x1;
	s5 =	sadd.s32 s21, s3  }
0x9d: {  	[timem:s7], [sflag:s22] =	dma.local [hbm:s5], s20  }
0x9e: {  	_ =	swait.ge [sflag:s22], s20  }
0x9f: {  	s4 =	ssub.s32 $0x0, s20;
	[sflag:s22] =	ssyncset.done $0x0  }
0xa0: {  	[sflag:s22] =	ssyncadd.s32 s4;
	_ =	sdelay $0x1  }
0xa1: {  	s23 =	simm.s32 $0x1B8B  }
0xa2: {  	_ =	swait.ge [sflag:s23], $0x1  }
0xa3: {  	[sflag:s23] =	ssyncset.done $0x0  }
0xa4: {  	s25 =	simm.s32 $0x1B8E;
	s24 =	sld [smem:$0x3FFE];
	[sflag:s23] =	ssyncadd.s32 $0xFFFFFFFF  }
0xa5: {  	s26 =	simm.s32 $execute0_lowered;
	[smem:$0x3FD2] =	sst s25  }
0xa6: {  	s5 =	sshll.u32 s26, $0x1;
	_ =	strace $0x80000046;
	[dreg:$0x1] =	wrdreg $0xFFFFFFFF  }
0xa7: {  	s28 =	simm.s32 $_size_execute0_lowered;
	s3 =	sadd.s32 s3, s5;
	[dreg:$0x0] =	wrdreg $0x0  }
0xa8: {  	s5 =	sshll.u32 s28, $0x1;
	[dreg:$0x2] =	wrdreg s3  }
0xa9: {  	[dreg:$0x3] =	wrdreg s5  }
0xaa: {  	[dreg:$0x4] =	wrdreg $0xC0  }
0xab: {  	_ =	task [dreg:s7], $0x5FFFF  }
0xac: {  	[dreg:$0x1] =	wrdreg $0xFFFFFFFF  }
0xad: {  	[dreg:$0x0] =	wrdreg $0x60  }
0xae: {  	[dreg:$0x2] =	wrdreg s2  }
0xaf: {  	[dreg:$0x3] =	wrdreg s24  }
0xb0: {  	[dreg:$0x4] =	wrdreg $0x9  }
0xb1: {  	_ =	task.clear_ibuf [dreg:s7], $0x5FFFF;
	_ =	strace $0x90000046  }
0xb2: {  	s29 =	simm.s32 $0x9;
	_ =	strace $0x80000048  }
0xb3: {  	_ =	swait.ge [sflag:s29], $0x1  }
0xb4: {  	[sflag:s29] =	ssyncadd.s32 $0xFFFFFFFF  }
0xb5: {  	_ =	strace $0x90000048  }
0xb6: {  	_ =	sfence  }
0xb7: {  	s30 =	sld [smem:$0x0];
	_ =	sdelay $0x2  }
0xb8: {  	s31 =	sshll.u32 s1, $0xD;
	s1 =	sshrl.u32 s1, $0x2  }
0xb9: {  	s3 =	sand.u32 $0x4000, s31;
	s1 =	sadd.s32 s1, s30  }
0xba: {  	s0 =	sor.u32 s3, s0;
	s1 =	sshll.u32 s1, $0x11  }
0xbb: {  	s0 =	sor.u32 s1, s0  }
0xbc: {  	s0 =	sadd.s32 $0x8F2B, s0  }
0xbd: {  	[sflag:s0] =	ssyncadd.remote.s32 $0x1  }
0xbe: {  	_ =	sfence.sel $0xFFFF  }
0xbf: {  	[dreg:$0x0] =	wrdreg $0xFFFFFFFF;
	(pc) =	sbr.abs _section_cstart, $3  }
0xc0: {  	[dreg:$0x1] =	wrdreg $0xFFFFFFFF  }
0xc1: {  	_ =	task.clear_ibuf [dreg:s7], $0x2FFFF;
	_ =	strace $0x9FFFFFFF  }
0xc2: {  	(tm) =	ssettm $0x7FFFFFFF  }
0xc3: {  	_ =	shalt  }
tec
execute0_lowered:
.L_overlay_start_1:
0x0: {  	(tag) =	ssettag $0x1  }
0x1: {  	s1 =	srdreg.scid;
	s2 =	rddreg [dreg:$0x0]  }
0x2: {  	s0 =	stileid.u32;
	s5 =	rddreg [dreg:$0x1];
	s6 =	simm.s32 $0x1  }
0x3: {  	s9 =	simm.s32 $0x1;
	s10 =	simm.s32 $0x3;
	s1 =	sshll.u32 s1, $0x8  }
0x4: {  	s13 =	simm.s32 $0x0;
	s3 =	sshll.u32 s0, $0x9;
	s4 =	sand.u32 $0x100, s1  }
0x5: {  	s12 =	simm.s32 $0x0;
	s1 =	rddreg [dreg:$0x2];
	s3 =	sor.u32 s3, s4  }
0x6: {  	_ =	strace $0x80000047;
	s4 =	sadd.s32 $0x48200, s5;
	s8 =	ssub.s32 $0x4000, s3  }
.Ltmp0:
0x7: {  	s5 =	sadd.s32 $0x40200, s5;
	s7 =	sand.u32 $0x1F00, s8;
	(pc) =	sbr.rel .LBB2_1-.Ltmp0, $4  }
0x8: {  	[sflag:s6] =	ssyncpa.u1 $0x0;
	s11 =	smov.u32 s3;
	p0 =	sne.s32 s7, $0x0  }
0x9: {  	s8 =	sshrl.u32 s8, $0xD;
	s7 =	simm.s32 $0x2;
	s9 =	simm.s32 @!p0 $0x0  }
0xa: {  	[sflag:s7] =	ssyncpa.u1 $0x0;
	p0 =	por $0x0, $0x0;
	s8 =	sadd.s32 s9, s8  }
0xb: {  	vm0 =	vmmov $0xffff;
	[sflag:s10] =	ssyncpa.u1 $0x0;
	s10 =	simm.s32 $0x0;
	s9 =	sadd.s32 $0x1, s8  }
.LBB2_4:
0xc: {  	vm1 =	veq.s32 v0, $0x80000000;
	v63 =	vand.u32 $0x3FFF, v0;
	v2 =	vand.u32 $0x3F, v2  }
0xd: {  	v0 =	vsel vm1, $0xFFFFFFFF, v63;
	v2 =	vsel vm1, $0xFFFFFFFF, v2  }
0xe: {  	v3 =	vshll.u32 v2, $0xE;
	v4 =	vshll.u32 v0, $0x3  }
0xf: {  	v2 =	vshll.u32 v2, $0x7;
	v3 =	vand.u32 $0xFFFE0000, v3;
	v4 =	vand.u32 $0xFFFFFC00, v4  }
0x10: {  	v2 =	vand.u32 $0x380, v2;
	v3 =	vadd.s32 v4, v3  }
0x11: {  	v0 =	vand.u32 $0x7F, v0;
	v2 =	vor.u32 v2, v3  }
0x12: {  	v0 =	vor.u32 v0, v2;
	_ =	sdelay $0x1  }
0x13: {  	(ifvalue) =	ssetifvalue $0x7FFFFFFF;
	s14 =	sadd.s32 $0x10, s14  }
0x14: {  	[tilespmem:s14], [sflag:$0x1] =	stream.indirect_vreg.gather [hbm4b:s2+s10], $0x1, v1, vm0, $0x4038;
	[tilespmem:$0x400] =	vst v63  }
0x15: {  	(ifvalue) =	ssetifvalue $0x7FFFFFFF;
	s14 =	sadd.s32 $0x10, s14  }
0x16: {  	[tilespmem:s14], [sflag:$0x1] =	stream.indirect_vreg.gather [hbm4b:s2+s10], $0x1, v0, vm0, $0x4038;
	[tilespmem:$0x400] =	vst v63  }
0x17: {  	_ =	swait.ge [sflag:s6], $0x100  }
0x18: {  	s30 =	sshrl.u32 s13, $0x3;
	[sflag:s6] =	ssyncset.done $0x0  }
0x19: {  	s31 =	sand.u32 $0x7, s13;
	s14 =	sadd.s32 s5, s30;
	[sflag:s6] =	ssyncadd.s32 $0xFFFFFF00  }
0x1a: {  	[hbm4b:s14+s31] =	stream.linear.scatter [tilespmem:s15], [sflag:$0x3], $0x100, $0x38;
	[tilespmem:$0x400] =	vst v63  }
.LBB2_5:
0x1b: {  	s15 =	sadd.s32 $0x2000, s11  }
0x1c: {  	p2 =	sgt.s32 s15, $0x3FFF  }
0x1d: {  	s15 =	smov.u32 @p2 s3;
	p2 =	sne.s32 s12, s9  }
.Ltmp1:
0x1e: {  	p1 =	slt.u32 s12, $0x2;
	(pc) =	sbr.rel @!p2 .LBB2_6-.Ltmp1, $4  }
0x1f: {  	s14 =	simm.s32 @!p1 $0x3  }
0x20: {  	s16 =	sadd.s32 $0x1, s12;
	_ =	swait.ge @!p1 [sflag:s14], $0x100  }
0x21: {  	s13 =	smov.u32 s11;
	p0 =	por !p0, !p0;
	[sflag:s14] =	ssyncset.done @!p1 $0x0  }
0x22: {  	s12 =	smov.u32 s16;
	s11 =	smov.u32 s15;
	[sflag:s14] =	ssyncadd.s32 @!p1 $0xFFFFFF00  }
.LBB2_1:
0x23: {  	p1 =	sge.u32 s12, s8  }
0x24: {  	s14 =	sxor.u32 @!p1 $0xFFFFFFFF, s12  }
0x25: {  	s31 =	sadd.s32 $0xFFFFFFFF, s12;
	s15 =	sshrl.u32 @!p1 s11, $0x3;
	s14 =	sshll.u32 @!p1 s14, $0x8  }
0x26: {  	s16 =	sand.u32 @!p1 $0x7, s11;
	s15 =	sadd.s32 @!p1 s4, s15;
	s14 =	sand.u32 @!p1 $0x100, s14  }
0x27: {  	[tilespmem:s14], [sflag:$0x2] =	stream.linear.gather @!p1 [hbm4b:s15+s16], $0x100, $0x38;
	[tilespmem:$0x400] =	vst v63  }
0x28: {  	p1 =	sge.u32 s31, s8  }
.Ltmp2:
0x29: {  	_ = 	snop;
	(pc) =	sbr.rel @p1 .LBB2_5-.Ltmp2, $1  }
0x2a: {  	_ =	sdelay $0x3  }
0x2b: {  	s14 =	simm.s32 $0x1  }
0x2c: {  	_ =	swait.ge [sflag:s7], $0x100;
	s14 =	simm.s32 @!p0 $0x0  }
0x2d: {  	[sflag:s7] =	ssyncset.done $0x0;
	s14 =	sshll.u32 s14, $0x8  }
0x2e: {  	[sflag:s7] =	ssyncadd.s32 $0xFFFFFF00;
	(ifvalue) =	ssetifvalue $0x7FFFFFFF;
	v0 =	vld.msk [tilespmem:s14+$0x0 ss:$0x1], $0xffff;
	_ =	sdelay $0x4  }
0x2f: {  	s15 =	sadd.s32 $0x10, s14;
	v1 =	vshrl.u32 v0, $0xE  }
0x30: {  	v2 =	vld.msk [tilespmem:s15+$0x0 ss:$0x1], $0xffff;
	vm1 =	veq.s32 v0, $0x80000000;
	v0 =	vand.u32 $0x3FFF, v0;
	v1 =	vand.u32 $0x3F, v1  }
0x31: {  	v0 =	vsel vm1, $0xFFFFFFFF, v0;
	v1 =	vsel vm1, $0xFFFFFFFF, v1  }
0x32: {  	v4 =	vshll.u32 v0, $0x3;
	v3 =	vshll.u32 v1, $0xE  }
0x33: {  	v4 =	vand.u32 $0xFFFFFC00, v4;
	v1 =	vshll.u32 v1, $0x7;
	v3 =	vand.u32 $0xFFFE0000, v3  }
0x34: {  	v0 =	vand.u32 $0x7F, v0;
	v1 =	vand.u32 $0x380, v1;
	v3 =	vadd.s32 v4, v3  }
0x35: {  	vm1 =	veq.s32 v2, $0x80000000;
	v1 =	vor.u32 v1, v3;
	v3 =	vshrl.u32 v2, $0xE  }
0x36: {  	s17 =	sadd.s32 $0x10, s15;
	v2 =	vand.u32 $0x3FFF, v2;
	v1 =	vor.u32 v0, v1;
	v3 =	vand.u32 $0x3F, v3  }
0x37: {  	v0 =	vld.msk [tilespmem:s17+$0x0 ss:$0x1], $0xffff;
	v2 =	vsel vm1, $0xFFFFFFFF, v2;
	v3 =	vsel vm1, $0xFFFFFFFF, v3  }
0x38: {  	v5 =	vshll.u32 v2, $0x3;
	v63 =	vshll.u32 v3, $0xE  }
0x39: {  	s31 =	sshll.u32 s12, $0x8;
	v5 =	vand.u32 $0xFFFFFC00, v5;
	v3 =	vshll.u32 v3, $0x7;
	v4 =	vand.u32 $0xFFFE0000, v63  }
0x3a: {  	s14 =	sor.u32 $0x200, s14;
	s15 =	sand.u32 $0x100, s31;
	(ifvalue) =	ssetifvalue $0x7FFFFFFF;
	v3 =	vand.u32 $0x380, v3;
	v4 =	vadd.s32 v5, v4  }
0x3b: {  	[tilespmem:s14], [sflag:$0x1] =	stream.indirect_vreg.gather [hbm4b:s2+s10], $0x1, v1, vm0, $0x4038;
	v1 =	vand.u32 $0x7F, v2;
	v3 =	vor.u32 v3, v4;
	[tilespmem:$0x400] =	vst v63  }
0x3c: {  	s16 =	simm.s32 $0x20;
	s15 =	sor.u32 $0x200, s15;
	s17 =	sadd.s32 $0x10, s17;
	v2 =	vshrl.u32 v0, $0xE;
	v1 =	vor.u32 v1, v3  }
.LBB2_3:
0x3d: {  	s16 =	sadd.s32 $0x10, s16;
	vm1 =	veq.s32 v0, $0x80000000;
	v3 =	vand.u32 $0x3FFF, v0;
	v0 =	vld.msk [tilespmem:s17+$0x0 ss:$0x1], $0xffff;
	v2 =	vand.u32 $0x3F, v2  }
0x3e: {  	p1 =	slt.u32 s16, $0xF0;
	v3 =	vsel vm1, $0xFFFFFFFF, v3;
	v2 =	vsel vm1, $0xFFFFFFFF, v2  }
.Ltmp3:
0x3f: {  	v4 =	vshll.u32 v2, $0xE;
	v5 =	vshll.u32 v3, $0x3;
	(pc) =	sbr.rel @p1 .LBB2_3-.Ltmp3, $4  }
0x40: {  	s14 =	sadd.s32 $0x10, s14;
	v2 =	vshll.u32 v2, $0x7;
	v4 =	vand.u32 $0xFFFE0000, v4;
	v5 =	vand.u32 $0xFFFFFC00, v5;
	(ifvalue) =	ssetifvalue $0x7FFFFFFF  }
0x41: {  	v2 =	vand.u32 $0x380, v2;
	v4 =	vadd.s32 v5, v4;
	[tilespmem:s14], [sflag:$0x1] =	stream.indirect_vreg.gather [hbm4b:s2+s10], $0x1, v1, vm0, $0x4038;
	[tilespmem:$0x400] =	vst v63  }
0x42: {  	v1 =	vand.u32 $0x7F, v3;
	v3 =	vor.u32 v2, v4  }
0x43: {  	s17 =	sadd.s32 $0x10, s17;
	v2 =	vshrl.u32 v0, $0xE;
	v1 =	vor.u32 v1, v3  }
.Ltmp4:
0x44: {  	_ = 	snop;
	(pc) =	sbr.rel .LBB2_4-.Ltmp4, $1  }
0x45: {  	_ =	sdelay $0x3  }
.LBB2_6:
0x46: {  	_ =	sfence.sel $0x180000  }
0x47: {  	s2 =	simm.s32 $0x2;
	[bflag:$0x0] =	sbarrier.arrive $0xFFFF  }
0x48: {  	s30 =	simm.s32 $0x3;
	[sflag:s2] =	ssyncpa.u1 $0x1  }
0x49: {  	s31 =	simm.s32 $0x1;
	[sflag:s30] =	ssyncpa.u1 $0x1  }
0x4a: {  	[sflag:s31] =	ssyncpa.u1 $0x1  }
0x4b: {  	p0 =	sne.s32 s0, $0x0;
	_ =	strace $0x90000047  }
0x4c: {  	s0 =	sadd.s32 @!p0 $0x100000, s1;
	[bflag:$0x2] =	sbarrier.arrive $0xFFFF  }
0x4d: {  	[sflag:s0] =	ssyncadd.tile.s32 @!p0 $0x1;
	_ =	shalt  }
.Lfunc_end2:
_tile_overlayer_lowered:
.L_overlay_start_2:
0x4e: {  	(tag) =	ssettag $0x2  }
0x4f: {  	s0 =	rddreg [dreg:$0x0];
	s2 =	stileid.u32  }
0x50: {  	s1 =	rddreg [dreg:$0x1];
	p0 =	sne.s32 s2, $0x0  }
0x51: {  	s3 =	rddreg [dreg:$0x2];
	[bflag:$0x3] =	sbarrier.arrive $0xFFFF;
	s2 =	simm.s32 @!p0 $0x1C01  }
0x52: {  	[timem:s3], [sflag:s2] =	dma.local @!p0 [hbm:s0], s1  }
0x53: {  	s0 =	simm.s32 @!p0 $0x1  }
0x54: {  	_ =	swait.ge @!p0 [sflag:s0], s1  }
0x55: {  	s1 =	ssub.s32 @!p0 $0x0, s1;
	[sflag:s0] =	ssyncset.done @!p0 $0x0  }
0x56: {  	[sflag:s0] =	ssyncadd.s32 @!p0 s1  }
0x57: {  	[bflag:$0x3] =	sbarrier.arrive $0xFFFF  }
0x58: {  	_ =	shalt  }

// kernel: gather_offload_async_start
scs
__scs_entry_jumppad:
0x0: {  	(pc) =	sbr.rel $0x88, $3  }
0x1: {  	(tag) =	ssettag $0x0;
	lr =	simm.s32 $0x1  }
0x2: {  	[smem:$0x3F9D] =	sst lr;
	_ =	strace $0xD0000000  }
0x3: {  	_ = 	snop  }
0x4: {  	_ = 	snop  }
0x5: {  	_ = 	snop  }
0x6: {  	_ = 	snop  }
0x7: {  	_ = 	snop  }
__scs_overlays_trampoline_lowered:
0x8: {  	[smem:$0x3FAC] =	sst s0  }
0x9: {  	[smem:$0x3FAD] =	sst s1  }
0xa: {  	[smem:$0x3FAE] =	sst s2  }
0xb: {  	[smem:$0x3FAF] =	sst s3  }
0xc: {  	[smem:$0x3FB0] =	sst s4  }
0xd: {  	[smem:$0x3FB1] =	sst s5  }
0xe: {  	[smem:$0x3FB2] =	sst s6  }
0xf: {  	[smem:$0x3FB3] =	sst s7  }
0x10: {  	[smem:$0x3FB4] =	sst s8  }
0x11: {  	[smem:$0x3FB5] =	sst s9;
	s0 =	simm.s32 @!p0 $0x0  }
0x12: {  	s1 =	sld [smem:$0x3F9B];
	s0 =	simm.s32 @p0 $0x1  }
0x13: {  	[smem:$0x3FB6] =	sst s0;
	s0 =	simm.s32 @!p1 $0x0  }
0x14: {  	s2 =	sld [smem:$0x3F9A];
	s0 =	simm.s32 @p1 $0x1  }
0x15: {  	[smem:$0x3FB7] =	sst s0;
	s0 =	simm.s32 @!p2 $0x0  }
0x16: {  	s3 =	sld [smem:$0x3FDB];
	s0 =	simm.s32 @p2 $0x1  }
0x17: {  	s4 =	simm.s32 $0x1BF5;
	[smem:$0x3FB9] =	sst s0  }
0x18: {  	s0 =	sld [smem:$0x3F9C];
	_ =	swait.ge [sflag:s4], $0x0  }
0x19: {  	s7 =	sld [smem:$0x3F9D]  }
0x1a: {  	s8 =	sadd.s32 $0xFFFFE003, lr  }
0x1b: {  	s9 =	sadd.s32 $0xFFFFFEF7, lr;
	s5 =	simm.s32 $0xFFFFFFFF;
	p2 =	slt.u32 s8, $0xFFFFF086  }
0x1c: {  	p1 =	slt.u32 s9, $0xF7A;
	s5 =	simm.s32 @!p2 $0x0  }
0x1d: {  	s5 =	simm.s32 @p1 $0x1;
	p0 =	seq.s32 s7, s2  }
0x1e: {  	s7 =	smul.u32 @!p0 $0xF7A, s2;
	p2 =	seq.s32 @!p0 s5, $0x0  }
0x1f: {  	s9 =	smul.u32 $0xF7A, s1;
	s8 =	simm.s32 @!p0 $0x1BF5;
	p2 =	por !p2, p0  }
0x20: {  	[sflag:s8] =	ssyncset.s32 @!p0 $0xFFFFF086;
	s6 =	sadd.s32 @!p0 s3, s7;
	s7 =	simm.s32 @!p0 $0x108  }
0x21: {  	s3 =	sadd.s32 s3, s9;
	s6 =	sadd.s32 @!p0 $0x88, s6;
	s7 =	simm.s32 @p2 $0x1082  }
0x22: {  	[simem:s7], [sflag:s8] =	dma.local @!p0 [hbm:s6], $0xF7A  }
0x23: {  	s9 =	sor.u32 $0xD0000000, s2;
	s6 =	simm.s32 $0x108;
	_ =	swait.ge @!p0 [sflag:s8], $0x0  }
0x24: {  	s3 =	sadd.s32 $0x88, s3;
	s6 =	simm.s32 @!p1 $0x1082;
	[sflag:s4] =	ssyncset.s32 $0xFFFFF086  }
0x25: {  	[simem:s6], [sflag:s4] =	dma.local [hbm:s3], $0xF7A  }
0x26: {  	[smem:$0x3F9D] =	sst s1;
	(tag) =	ssettag s2;
	_ =	strace s9  }
0x27: {  	s1 =	sld [smem:$0x3FAD]  }
0x28: {  	s2 =	sld [smem:$0x3FAE]  }
0x29: {  	s4 =	sld [smem:$0x3FB0]  }
0x2a: {  	p0 =	seq.s32 s5, $0x0;
	s5 =	sld [smem:$0x3FB1]  }
0x2b: {  	s6 =	sld [smem:$0x3FB2]  }
0x2c: {  	s7 =	sld [smem:$0x3FB3]  }
0x2d: {  	s3 =	simm.s32 $0x108;
	s8 =	sld [smem:$0x3FB4]  }
0x2e: {  	s3 =	simm.s32 @!p0 $0x1082;
	s9 =	sld [smem:$0x3FB5]  }
0x2f: {  	lr =	sadd.s32 s0, s3;
	s0 =	sld [smem:$0x3FAC]  }
0x30: {  	s3 =	sld [smem:$0x3FAF]  }
0x31: {  	[smem:$0x3FB8] =	sst s10  }
0x32: {  	s10 =	sld [smem:$0x3FB6];
	_ =	sdelay $0x3  }
0x33: {  	p0 =	seq.s32 s10, $0x1;
	s10 =	sld [smem:$0x3FB8];
	_ =	sdelay $0x3  }
0x34: {  	[smem:$0x3FB8] =	sst s10  }
0x35: {  	s10 =	sld [smem:$0x3FB7];
	_ =	sdelay $0x3  }
0x36: {  	p1 =	seq.s32 s10, $0x1;
	s10 =	sld [smem:$0x3FB8];
	_ =	sdelay $0x3  }
0x37: {  	[smem:$0x3FB8] =	sst s10  }
0x38: {  	s10 =	sld [smem:$0x3FB9]  }
0x39: {  	_ = 	snop;
	(pc) =	sbr.ind lr, $3  }
0x3a: {  	_ = 	snop  }
0x3b: {  	_ = 	snop  }
0x3c: {  	p2 =	seq.s32 s10, $0x1;
	s10 =	sld [smem:$0x3FB8]  }
0x3d: {  	_ =	shalt  }
0x3e: {  	_ =	shalt  }
0x3f: {  	_ =	shalt  }
0x40: {  	_ =	shalt  }
0x41: {  	_ =	shalt  }
0x42: {  	_ =	shalt  }
0x43: {  	_ =	shalt  }
0x44: {  	_ =	shalt  }
0x45: {  	_ =	shalt  }
0x46: {  	_ =	shalt  }
0x47: {  	_ =	shalt  }
0x48: {  	_ =	shalt  }
0x49: {  	_ =	shalt  }
0x4a: {  	_ =	shalt  }
0x4b: {  	_ =	shalt  }
0x4c: {  	_ =	shalt  }
0x4d: {  	_ =	shalt  }
0x4e: {  	_ =	shalt  }
0x4f: {  	_ =	shalt  }
0x50: {  	_ =	shalt  }
0x51: {  	_ =	shalt  }
0x52: {  	_ =	shalt  }
0x53: {  	_ =	shalt  }
0x54: {  	_ =	shalt  }
0x55: {  	_ =	shalt  }
0x56: {  	_ =	shalt  }
0x57: {  	_ =	shalt  }
0x58: {  	_ =	shalt  }
0x59: {  	_ =	shalt  }
0x5a: {  	_ =	shalt  }
0x5b: {  	_ =	shalt  }
0x5c: {  	_ =	shalt  }
0x5d: {  	_ =	shalt  }
0x5e: {  	_ =	shalt  }
0x5f: {  	_ =	shalt  }
0x60: {  	_ =	shalt  }
0x61: {  	_ =	shalt  }
0x62: {  	_ =	shalt  }
0x63: {  	_ =	shalt  }
0x64: {  	_ =	shalt  }
0x65: {  	_ =	shalt  }
0x66: {  	_ =	shalt  }
0x67: {  	_ =	shalt  }
0x68: {  	_ =	shalt  }
0x69: {  	_ =	shalt  }
0x6a: {  	_ =	shalt  }
0x6b: {  	_ =	shalt  }
0x6c: {  	_ =	shalt  }
0x6d: {  	_ =	shalt  }
0x6e: {  	_ =	shalt  }
0x6f: {  	_ =	shalt  }
0x70: {  	_ =	shalt  }
0x71: {  	_ =	shalt  }
0x72: {  	_ =	shalt  }
0x73: {  	_ =	shalt  }
0x74: {  	_ =	shalt  }
0x75: {  	_ =	shalt  }
0x76: {  	_ =	shalt  }
0x77: {  	_ =	shalt  }
0x78: {  	_ =	shalt  }
0x79: {  	_ =	shalt  }
0x7a: {  	_ =	shalt  }
0x7b: {  	_ =	shalt  }
0x7c: {  	_ =	shalt  }
0x7d: {  	_ =	shalt  }
0x7e: {  	_ =	shalt  }
0x7f: {  	_ =	shalt  }
0x80: {  	_ =	shalt  }
0x81: {  	_ =	shalt  }
0x82: {  	_ =	shalt  }
0x83: {  	_ =	shalt  }
0x84: {  	_ =	shalt  }
0x85: {  	_ =	shalt  }
0x86: {  	_ =	shalt  }
0x87: {  	_ =	shalt  }
.Lfunc_end0:
.L_simem_size_0:
called_computation_lowered:
.L_overlay_start_0:
0x88: {  	s2 =	sld [smem:$0x3FD9]  }
0x89: {  	s3 =	sld [smem:$0x3FFE];
	_ =	sdelay $0x1  }
0x8a: {  	s1 =	srdreg.scid  }
0x8b: {  	s0 =	sand.u32 $0x1, s1  }
0x8c: {  	s17 =	sshll.u32 s0, $0xA;
	s2 =	sadd.s32 s3, s2  }
0x8d: {  	s2 =	sadd.s32 s2, s17  }
0x8e: {  	[smem:$0x3FC4] =	sst s2  }
0x8f: {  	_ = 	snop  }
0x90: {  	s2 =	sld [smem:$0x3FC9]  }
0x91: {  	s18 =	sld [smem:$0x3FD0];
	(tm) =	ssettm $0x1  }
0x92: {  	s4 =	sld [smem:$0x3FFB];
	_ =	sdelay $0x3  }
0x93: {  	_ =	strace s4  }
0x94: {  	s4 =	sld [smem:$0x3FFC];
	_ =	sdelay $0x3  }
0x95: {  	_ =	strace s4  }
0x96: {  	s4 =	sld [smem:$0x3FFD];
	_ =	sdelay $0x3  }
0x97: {  	_ =	strace s4  }
0x98: {  	_ =	strace $0x8FFFFFFF  }
0x99: {  	s19 =	sld [smem:$0x3FDB];
	_ =	sdelay $0x1  }
0x9a: {  	s5 =	simm.s32 $_scs_section_size  }
0x9b: {  	s6 =	simm.s32 $_size__tile_overlayer_lowered;
	s7 =	simm.s32 $_tile_overlayer_lowered  }
0x9c: {  	s22 =	simm.s32 $0x1BFF;
	s21 =	sshll.u32 s7, $0x1;
	s4 =	sadd.s32 s5, s19  }
0x9d: {  	s8 =	simm.s32 $0x0;
	s20 =	sshll.u32 s6, $0x1;
	s6 =	sadd.s32 s21, s4  }
0x9e: {  	[timem:s8], [sflag:s22] =	dma.local [hbm:s6], s20  }
0x9f: {  	_ =	swait.ge [sflag:s22], s20  }
0xa0: {  	s5 =	ssub.s32 $0x0, s20;
	[sflag:s22] =	ssyncset.done $0x0  }
0xa1: {  	[sflag:s22] =	ssyncadd.s32 s5;
	_ =	sdelay $0x1  }
0xa2: {  	s23 =	simm.s32 $0x1B8B  }
0xa3: {  	_ =	swait.ge [sflag:s23], $0x1  }
0xa4: {  	[sflag:s23] =	ssyncset.done $0x0  }
0xa5: {  	s25 =	simm.s32 $0x1B8E;
	s24 =	sld [smem:$0x3FFE];
	[sflag:s23] =	ssyncadd.s32 $0xFFFFFFFF  }
0xa6: {  	s26 =	simm.s32 $execute0_lowered;
	[smem:$0x3FD2] =	sst s25  }
0xa7: {  	s6 =	sshll.u32 s26, $0x1;
	_ =	strace $0x80000049;
	[dreg:$0x1] =	wrdreg $0xFFFFFFFF  }
0xa8: {  	s28 =	simm.s32 $_size_execute0_lowered;
	s4 =	sadd.s32 s4, s6;
	[dreg:$0x0] =	wrdreg $0x0  }
0xa9: {  	s6 =	sshll.u32 s28, $0x1;
	[dreg:$0x2] =	wrdreg s4  }
0xaa: {  	[dreg:$0x3] =	wrdreg s6  }
0xab: {  	[dreg:$0x4] =	wrdreg $0xC0  }
0xac: {  	_ =	task [dreg:s8], $0x5FFFF  }
0xad: {  	[dreg:$0x1] =	wrdreg $0xFFFFFFFF  }
0xae: {  	[dreg:$0x0] =	wrdreg $0x60  }
0xaf: {  	[dreg:$0x2] =	wrdreg s2  }
0xb0: {  	[dreg:$0x3] =	wrdreg s18  }
0xb1: {  	[dreg:$0x4] =	wrdreg s24  }
0xb2: {  	[dreg:$0x5] =	wrdreg $0x9  }
0xb3: {  	_ =	task.clear_ibuf [dreg:s8], $0x6FFFF;
	_ =	strace $0x90000049  }
0xb4: {  	s29 =	simm.s32 $0x9;
	_ =	strace $0x8000004B  }
0xb5: {  	_ =	swait.ge [sflag:s29], $0x1  }
0xb6: {  	[sflag:s29] =	ssyncadd.s32 $0xFFFFFFFF  }
0xb7: {  	_ =	strace $0x9000004B  }
0xb8: {  	_ =	sfence  }
0xb9: {  	s30 =	sld [smem:$0x0];
	_ =	sdelay $0x2  }
0xba: {  	s31 =	sshll.u32 s1, $0xD;
	s1 =	sshrl.u32 s1, $0x2  }
0xbb: {  	s3 =	sand.u32 $0x4000, s31;
	s1 =	sadd.s32 s1, s30  }
0xbc: {  	s0 =	sor.u32 s3, s0;
	s1 =	sshll.u32 s1, $0x11  }
0xbd: {  	s0 =	sor.u32 s1, s0  }
0xbe: {  	s0 =	sadd.s32 $0x8F2B, s0  }
0xbf: {  	[sflag:s0] =	ssyncadd.remote.s32 $0x1  }
0xc0: {  	_ =	sfence.sel $0xFFFF  }
0xc1: {  	[dreg:$0x0] =	wrdreg $0xFFFFFFFF;
	(pc) =	sbr.abs _section_cstart, $3  }
0xc2: {  	[dreg:$0x1] =	wrdreg $0xFFFFFFFF  }
0xc3: {  	_ =	task.clear_ibuf [dreg:s8], $0x2FFFF;
	_ =	strace $0x9FFFFFFF  }
0xc4: {  	(tm) =	ssettm $0x7FFFFFFF  }
0xc5: {  	_ =	shalt  }
tec
execute0_lowered:
.L_overlay_start_1:
0x0: {  	(tag) =	ssettag $0x1  }
0x1: {  	s2 =	rddreg [dreg:$0x0]  }
0x2: {  	s3 =	rddreg [dreg:$0x1];
	s0 =	srdreg.scid  }
0x3: {  	s7 =	rddreg [dreg:$0x2];
	s1 =	stileid.u32;
	s6 =	simm.s32 $0x2  }
0x4: {  	s4 =	sshll.u32 s0, $0x4;
	s0 =	rddreg [dreg:$0x3];
	_ =	strace $0x8000004A  }
.Ltmp0:
0x5: {  	s5 =	sand.u32 $0x10, s4;
	s4 =	simm.s32 $0x1;
	(pc) =	sbr.rel .LBB2_1-.Ltmp0, $4  }
0x6: {  	s9 =	simm.s32 $0x3;
	s5 =	sor.u32 s1, s5;
	[sflag:s4] =	ssyncpa.u1 $0x0  }
0x7: {  	s11 =	simm.s32 $0x0;
	s5 =	smul.u32 $0x300, s5;
	[sflag:s6] =	ssyncpa.u1 $0x0  }
0x8: {  	p0 =	por $0x0, $0x0;
	s7 =	sadd.s32 $0x41200, s7;
	[sflag:s9] =	ssyncpa.u1 $0x0  }
0x9: {  	vm0 =	vmmov $0xff;
	vm1 =	vcmask $0x3F20;
	s9 =	simm.s32 $0x0;
	s8 =	sadd.s32 $0x300, s5;
	s10 =	smov.u32 s5  }
.LBB2_9:
0xa: {  	p1 =	slt.u32 s9, $0x2;
	s11 =	sadd.s32 $0x30, s10  }
0xb: {  	s13 =	smov.u32 s5;
	s9 =	sadd.s32 $0x1, s9;
	p2 =	slt.s32 s11, s8  }
0xc: {  	s13 =	smov.u32 @p2 s11;
	p2 =	sne.s32 s9, $0x12  }
.Ltmp1:
0xd: {  	_ = 	snop;
	(pc) =	sbr.rel @!p2 .LBB2_10-.Ltmp1, $4  }
0xe: {  	s12 =	simm.s32 @!p1 $0x3  }
0xf: {  	_ =	swait.ge @!p1 [sflag:s12], $0xC000  }
0x10: {  	p0 =	por !p0, !p0;
	[sflag:s12] =	ssyncset.done @!p1 $0x0  }
0x11: {  	s11 =	smov.u32 s10;
	s10 =	smov.u32 s13;
	[sflag:s12] =	ssyncadd.s32 @!p1 $0xFFFF4000  }
.LBB2_1:
0x12: {  	p1 =	sgt.u32 s9, $0xF  }
0x13: {  	s12 =	sxor.u32 @!p1 $0xFFFFFFFF, s9  }
0x14: {  	s12 =	sand.u32 @!p1 $0x1, s12  }
0x15: {  	s12 =	smul.u32 @!p1 $0xC0, s12  }
0x16: {  	s31 =	sadd.s32 $0xFFFFFFFF, s9;
	s13 =	sshrl.u32 @!p1 s10, $0x3  }
0x17: {  	s14 =	sand.u32 @!p1 $0x7, s10;
	s13 =	sadd.s32 @!p1 s3, s13;
	s12 =	sshrl.u32 @!p1 s12, $0x2  }
0x18: {  	[tilespmem:s12], [sflag:$0x2] =	stream.linear.gather @!p1 [hbm4b:s13+s14], $0x30, $0x38;
	[tilespmem:$0x18060] =	vst v63  }
0x19: {  	p1 =	sgt.u32 s31, $0xF  }
.Ltmp2:
0x1a: {  	_ = 	snop;
	(pc) =	sbr.rel @p1 .LBB2_9-.Ltmp2, $1  }
0x1b: {  	_ =	sdelay $0x3  }
0x1c: {  	s12 =	simm.s32 $0x1  }
0x1d: {  	s12 =	simm.s32 @!p0 $0x0  }
0x1e: {  	s12 =	smul.u32 $0x30000, s12  }
0x1f: {  	s13 =	sand.u32 $0x1, s9  }
0x20: {  	_ =	swait.ge [sflag:s6], $0x30;
	s13 =	smul.u32 $0xC0, s13;
	s12 =	sshrl.u32 s12, $0x2  }
0x21: {  	s14 =	simm.s32 $0x0;
	[sflag:s6] =	ssyncset.done $0x0;
	s12 =	sor.u32 $0x60, s12  }
0x22: {  	[sflag:s6] =	ssyncadd.s32 $0xFFFFFFD0;
	s13 =	sshrl.u32 s13, $0x2;
	s15 =	smov.u32 s12  }
.LBB2_3:
0x23: {  	s16 =	sshll.u32 s14, $0x4  }
0x24: {  	s16 =	sand.u32 $0x3FFFFFF0, s16  }
0x25: {  	s16 =	sadd.s32 s16, s13  }
0x26: {  	v0 =	vld.msk [tilespmem:s16+$0x0 ss:$0x1], $0xffff;
	_ =	sdelay $0x4  }
0x27: {  	vm2 =	vgt.s32 v0, $0x0  }
0x28: {  	v0 =	vnsel vm2, $0x0, v0  }
0x29: {  	v0 =	vmin.u32 v0, $0x1FFF  }
0x2a: {  	v1 =	vshll.u32 v0, $0x7;
	v0 =	vshll.u32 v0, $0x4  }
0x2b: {  	v1 =	vand.u32 $0xFFC00, v1;
	v0 =	vand.u32 $0x70, v0  }
0x2c: {  	v0 =	vor.u32 v0, v1;
	_ =	sdelay $0x3  }
0x2d: {  	s17 =	sadd.s32 $0x0, s15  }
0x2e: {  	[tilespmem:s17], [sflag:$0x1] =	stream.indirect_vreg.gather [hbm:s2], $0x80, v0, vm0, $0x38;
	[tilespmem:$0x18060] =	vst v63  }
0x2f: {  	s16 =	simm.s32 $0x1000;
	v1 =	vadd.s32 $0x80, v0;
	s17 =	sadd.s32 $0x2000, s17  }
.LBB2_4:
0x30: {  	[tilespmem:s17], [sflag:$0x1] =	stream.indirect_vreg.gather [hbm:s2], $0x80, v0, vm1, $0x38;
	[tilespmem:$0x18060] =	vst v63  }
0x31: {  	v0 =	vmov v1;
	s17 =	smov.u32 s16;
	p1 =	sne.s32 s16, $0x7000  }
.Ltmp3:
0x32: {  	s16 =	sadd.s32 $0x1000, s16;
	(pc) =	sbr.rel @p1 .LBB2_4-.Ltmp3, $4  }
0x33: {  	s17 =	sshra.s32 s17, $0x2  }
0x34: {  	s17 =	sadd.s32 s17, s15  }
0x35: {  	[tilespmem:s17], [sflag:$0x1] =	stream.indirect_vreg.gather [hbm:s2], $0x80, v1, vm0, $0x38;
	[tilespmem:$0x18060] =	vst v63  }
0x36: {  	s17 =	sadd.s32 $0x2000, s17;
	v1 =	vadd.s32 $0x80, v1  }
0x37: {  	s14 =	sadd.s32 $0x1, s14  }
0x38: {  	p1 =	sne.s32 s14, $0x3  }
.Ltmp4:
0x39: {  	_ = 	snop;
	(pc) =	sbr.rel @p1 .LBB2_3-.Ltmp4, $3  }
0x3a: {  	_ =	sdelay $0x1  }
0x3b: {  	[tilespmem:s17], [sflag:$0x1] =	stream.indirect_vreg.gather [hbm:s2], $0x80, v0, vm1, $0x38;
	[tilespmem:$0x18060] =	vst v63  }
0x3c: {  	s15 =	sadd.s32 $0x4000, s15  }
0x3d: {  	s13 =	sshll.u32 s11, $0x7  }
0x3e: {  	s31 =	sshll.u32 s11, $0x4;
	s13 =	sand.u32 $0xFFFFFC00, s13  }
0x3f: {  	_ =	swait.ge [sflag:s4], $0xC000;
	s11 =	sand.u32 $0x70, s31;
	s13 =	sadd.s32 s13, s7  }
0x40: {  	s14 =	sadd.s32 $0x2000, s12;
	[sflag:s4] =	ssyncset.done $0x0;
	s11 =	sadd.s32 s11, s13  }
0x41: {  	[sflag:s4] =	ssyncadd.s32 $0xFFFF4000;
	s13 =	simm.s32 $0x400;
	s15 =	sadd.s32 $0x0, s11  }
.LBB2_7:
0x42: {  	[hbm:s15] =	stream.linear.scatter [tilespmem:s12], [sflag:$0x3], $0x2000, $0x38;
	[tilespmem:$0x18060] =	vst v63  }
0x43: {  	s15 =	smov.u32 s13;
	s12 =	smov.u32 s14;
	p1 =	sne.s32 s13, $0x1400  }
.Ltmp5:
0x44: {  	s13 =	sadd.s32 $0x400, s13;
	(pc) =	sbr.rel @p1 .LBB2_7-.Ltmp5, $2  }
0x45: {  	_ =	sdelay $0x2  }
0x46: {  	s14 =	sadd.s32 $0x2000, s14;
	s15 =	sadd.s32 s15, s11  }
.Ltmp6:
0x47: {  	(pc) =	sbr.rel .LBB2_9-.Ltmp6, $2  }
0x48: {  	_ =	sdelay $0x2  }
0x49: {  	[hbm:s15] =	stream.linear.scatter [tilespmem:s12], [sflag:$0x3], $0x2000, $0x38;
	[tilespmem:$0x18060] =	vst v63  }
.LBB2_10:
0x4a: {  	_ =	sfence.sel $0x180000  }
0x4b: {  	s2 =	simm.s32 $0x2;
	[bflag:$0x0] =	sbarrier.arrive $0xFFFF  }
0x4c: {  	s30 =	simm.s32 $0x3;
	[sflag:s2] =	ssyncpa.u1 $0x1  }
0x4d: {  	s31 =	simm.s32 $0x1;
	[sflag:s30] =	ssyncpa.u1 $0x1  }
0x4e: {  	[sflag:s31] =	ssyncpa.u1 $0x1  }
0x4f: {  	p0 =	sne.s32 s1, $0x0;
	_ =	strace $0x9000004A  }
0x50: {  	s0 =	sadd.s32 @!p0 $0x100000, s0;
	[bflag:$0x2] =	sbarrier.arrive $0xFFFF  }
0x51: {  	[sflag:s0] =	ssyncadd.tile.s32 @!p0 $0x1;
	_ =	shalt  }
.Lfunc_end2:
_tile_overlayer_lowered:
.L_overlay_start_2:
0x52: {  	(tag) =	ssettag $0x2  }
0x53: {  	s0 =	rddreg [dreg:$0x0];
	s2 =	stileid.u32  }
0x54: {  	s1 =	rddreg [dreg:$0x1];
	p0 =	sne.s32 s2, $0x0  }
0x55: {  	s3 =	rddreg [dreg:$0x2];
	[bflag:$0x3] =	sbarrier.arrive $0xFFFF;
	s2 =	simm.s32 @!p0 $0x1C01  }
0x56: {  	[timem:s3], [sflag:s2] =	dma.local @!p0 [hbm:s0], s1  }
0x57: {  	s0 =	simm.s32 @!p0 $0x1  }
0x58: {  	_ =	swait.ge @!p0 [sflag:s0], s1  }
0x59: {  	s1 =	ssub.s32 @!p0 $0x0, s1;
	[sflag:s0] =	ssyncset.done @!p0 $0x0  }
0x5a: {  	[sflag:s0] =	ssyncadd.s32 @!p0 s1  }
0x5b: {  	[bflag:$0x3] =	sbarrier.arrive $0xFFFF  }
0x5c: {  	_ =	shalt  }

// kernel: kernel.5.cloned.1.call-start
scs
__scs_entry_jumppad:
0x0: {  	(pc) =	sbr.rel $0x88, $3  }
0x1: {  	(tag) =	ssettag $0x0;
	lr =	simm.s32 $0x1  }
0x2: {  	[smem:$0x3F9D] =	sst lr;
	_ =	strace $0xD0000000  }
0x3: {  	_ = 	snop  }
0x4: {  	_ = 	snop  }
0x5: {  	_ = 	snop  }
0x6: {  	_ = 	snop  }
0x7: {  	_ = 	snop  }
__scs_overlays_trampoline_lowered:
0x8: {  	[smem:$0x3FAC] =	sst s0  }
0x9: {  	[smem:$0x3FAD] =	sst s1  }
0xa: {  	[smem:$0x3FAE] =	sst s2  }
0xb: {  	[smem:$0x3FAF] =	sst s3  }
0xc: {  	[smem:$0x3FB0] =	sst s4  }
0xd: {  	[smem:$0x3FB1] =	sst s5  }
0xe: {  	[smem:$0x3FB2] =	sst s6  }
0xf: {  	[smem:$0x3FB3] =	sst s7  }
0x10: {  	[smem:$0x3FB4] =	sst s8  }
0x11: {  	[smem:$0x3FB5] =	sst s9;
	s0 =	simm.s32 @!p0 $0x0  }
0x12: {  	s1 =	sld [smem:$0x3F9B];
	s0 =	simm.s32 @p0 $0x1  }
0x13: {  	[smem:$0x3FB6] =	sst s0;
	s0 =	simm.s32 @!p1 $0x0  }
0x14: {  	s2 =	sld [smem:$0x3F9A];
	s0 =	simm.s32 @p1 $0x1  }
0x15: {  	[smem:$0x3FB7] =	sst s0;
	s0 =	simm.s32 @!p2 $0x0  }
0x16: {  	s3 =	sld [smem:$0x3FDB];
	s0 =	simm.s32 @p2 $0x1  }
0x17: {  	s4 =	simm.s32 $0x1BF5;
	[smem:$0x3FB9] =	sst s0  }
0x18: {  	s0 =	sld [smem:$0x3F9C];
	_ =	swait.ge [sflag:s4], $0x0  }
0x19: {  	s7 =	sld [smem:$0x3F9D]  }
0x1a: {  	s8 =	sadd.s32 $0xFFFFE003, lr  }
0x1b: {  	s9 =	sadd.s32 $0xFFFFFEF7, lr;
	s5 =	simm.s32 $0xFFFFFFFF;
	p2 =	slt.u32 s8, $0xFFFFF086  }
0x1c: {  	p1 =	slt.u32 s9, $0xF7A;
	s5 =	simm.s32 @!p2 $0x0  }
0x1d: {  	s5 =	simm.s32 @p1 $0x1;
	p0 =	seq.s32 s7, s2  }
0x1e: {  	s7 =	smul.u32 @!p0 $0xF7A, s2;
	p2 =	seq.s32 @!p0 s5, $0x0  }
0x1f: {  	s9 =	smul.u32 $0xF7A, s1;
	s8 =	simm.s32 @!p0 $0x1BF5;
	p2 =	por !p2, p0  }
0x20: {  	[sflag:s8] =	ssyncset.s32 @!p0 $0xFFFFF086;
	s6 =	sadd.s32 @!p0 s3, s7;
	s7 =	simm.s32 @!p0 $0x108  }
0x21: {  	s3 =	sadd.s32 s3, s9;
	s6 =	sadd.s32 @!p0 $0x88, s6;
	s7 =	simm.s32 @p2 $0x1082  }
0x22: {  	[simem:s7], [sflag:s8] =	dma.local @!p0 [hbm:s6], $0xF7A  }
0x23: {  	s9 =	sor.u32 $0xD0000000, s2;
	s6 =	simm.s32 $0x108;
	_ =	swait.ge @!p0 [sflag:s8], $0x0  }
0x24: {  	s3 =	sadd.s32 $0x88, s3;
	s6 =	simm.s32 @!p1 $0x1082;
	[sflag:s4] =	ssyncset.s32 $0xFFFFF086  }
0x25: {  	[simem:s6], [sflag:s4] =	dma.local [hbm:s3], $0xF7A  }
0x26: {  	[smem:$0x3F9D] =	sst s1;
	(tag) =	ssettag s2;
	_ =	strace s9  }
0x27: {  	s1 =	sld [smem:$0x3FAD]  }
0x28: {  	s2 =	sld [smem:$0x3FAE]  }
0x29: {  	s4 =	sld [smem:$0x3FB0]  }
0x2a: {  	p0 =	seq.s32 s5, $0x0;
	s5 =	sld [smem:$0x3FB1]  }
0x2b: {  	s6 =	sld [smem:$0x3FB2]  }
0x2c: {  	s7 =	sld [smem:$0x3FB3]  }
0x2d: {  	s3 =	simm.s32 $0x108;
	s8 =	sld [smem:$0x3FB4]  }
0x2e: {  	s3 =	simm.s32 @!p0 $0x1082;
	s9 =	sld [smem:$0x3FB5]  }
0x2f: {  	lr =	sadd.s32 s0, s3;
	s0 =	sld [smem:$0x3FAC]  }
0x30: {  	s3 =	sld [smem:$0x3FAF]  }
0x31: {  	[smem:$0x3FB8] =	sst s10  }
0x32: {  	s10 =	sld [smem:$0x3FB6];
	_ =	sdelay $0x3  }
0x33: {  	p0 =	seq.s32 s10, $0x1;
	s10 =	sld [smem:$0x3FB8];
	_ =	sdelay $0x3  }
0x34: {  	[smem:$0x3FB8] =	sst s10  }
0x35: {  	s10 =	sld [smem:$0x3FB7];
	_ =	sdelay $0x3  }
0x36: {  	p1 =	seq.s32 s10, $0x1;
	s10 =	sld [smem:$0x3FB8];
	_ =	sdelay $0x3  }
0x37: {  	[smem:$0x3FB8] =	sst s10  }
0x38: {  	s10 =	sld [smem:$0x3FB9]  }
0x39: {  	_ = 	snop;
	(pc) =	sbr.ind lr, $3  }
0x3a: {  	_ = 	snop  }
0x3b: {  	_ = 	snop  }
0x3c: {  	p2 =	seq.s32 s10, $0x1;
	s10 =	sld [smem:$0x3FB8]  }
0x3d: {  	_ =	shalt  }
0x3e: {  	_ =	shalt  }
0x3f: {  	_ =	shalt  }
0x40: {  	_ =	shalt  }
0x41: {  	_ =	shalt  }
0x42: {  	_ =	shalt  }
0x43: {  	_ =	shalt  }
0x44: {  	_ =	shalt  }
0x45: {  	_ =	shalt  }
0x46: {  	_ =	shalt  }
0x47: {  	_ =	shalt  }
0x48: {  	_ =	shalt  }
0x49: {  	_ =	shalt  }
0x4a: {  	_ =	shalt  }
0x4b: {  	_ =	shalt  }
0x4c: {  	_ =	shalt  }
0x4d: {  	_ =	shalt  }
0x4e: {  	_ =	shalt  }
0x4f: {  	_ =	shalt  }
0x50: {  	_ =	shalt  }
0x51: {  	_ =	shalt  }
0x52: {  	_ =	shalt  }
0x53: {  	_ =	shalt  }
0x54: {  	_ =	shalt  }
0x55: {  	_ =	shalt  }
0x56: {  	_ =	shalt  }
0x57: {  	_ =	shalt  }
0x58: {  	_ =	shalt  }
0x59: {  	_ =	shalt  }
0x5a: {  	_ =	shalt  }
0x5b: {  	_ =	shalt  }
0x5c: {  	_ =	shalt  }
0x5d: {  	_ =	shalt  }
0x5e: {  	_ =	shalt  }
0x5f: {  	_ =	shalt  }
0x60: {  	_ =	shalt  }
0x61: {  	_ =	shalt  }
0x62: {  	_ =	shalt  }
0x63: {  	_ =	shalt  }
0x64: {  	_ =	shalt  }
0x65: {  	_ =	shalt  }
0x66: {  	_ =	shalt  }
0x67: {  	_ =	shalt  }
0x68: {  	_ =	shalt  }
0x69: {  	_ =	shalt  }
0x6a: {  	_ =	shalt  }
0x6b: {  	_ =	shalt  }
0x6c: {  	_ =	shalt  }
0x6d: {  	_ =	shalt  }
0x6e: {  	_ =	shalt  }
0x6f: {  	_ =	shalt  }
0x70: {  	_ =	shalt  }
0x71: {  	_ =	shalt  }
0x72: {  	_ =	shalt  }
0x73: {  	_ =	shalt  }
0x74: {  	_ =	shalt  }
0x75: {  	_ =	shalt  }
0x76: {  	_ =	shalt  }
0x77: {  	_ =	shalt  }
0x78: {  	_ =	shalt  }
0x79: {  	_ =	shalt  }
0x7a: {  	_ =	shalt  }
0x7b: {  	_ =	shalt  }
0x7c: {  	_ =	shalt  }
0x7d: {  	_ =	shalt  }
0x7e: {  	_ =	shalt  }
0x7f: {  	_ =	shalt  }
0x80: {  	_ =	shalt  }
0x81: {  	_ =	shalt  }
0x82: {  	_ =	shalt  }
0x83: {  	_ =	shalt  }
0x84: {  	_ =	shalt  }
0x85: {  	_ =	shalt  }
0x86: {  	_ =	shalt  }
0x87: {  	_ =	shalt  }
.Lfunc_end0:
.L_simem_size_0:
called_computation.2_lowered:
.L_overlay_start_0:
0x88: {  	s2 =	sld [smem:$0x3FD9]  }
0x89: {  	s3 =	sld [smem:$0x3FFE];
	_ =	sdelay $0x1  }
0x8a: {  	s1 =	srdreg.scid  }
0x8b: {  	s0 =	sand.u32 $0x1, s1  }
0x8c: {  	s17 =	sshll.u32 s0, $0xA;
	s2 =	sadd.s32 s3, s2  }
0x8d: {  	s2 =	sadd.s32 s2, s17  }
0x8e: {  	[smem:$0x3FC4] =	sst s2  }
0x8f: {  	_ = 	snop  }
0x90: {  	s2 =	sld [smem:$0x3FD0];
	(tm) =	ssettm $0x1  }
0x91: {  	s18 =	sld [smem:$0x3FFB];
	_ =	sdelay $0x3  }
0x92: {  	_ =	strace s18  }
0x93: {  	s3 =	sld [smem:$0x3FFC];
	_ =	sdelay $0x3  }
0x94: {  	_ =	strace s3  }
0x95: {  	s3 =	sld [smem:$0x3FFD];
	_ =	sdelay $0x3  }
0x96: {  	_ =	strace s3  }
0x97: {  	_ =	strace $0x8FFFFFFF  }
0x98: {  	s19 =	sld [smem:$0x3FDB];
	_ =	sdelay $0x1  }
0x99: {  	s4 =	simm.s32 $_scs_section_size  }
0x9a: {  	s5 =	simm.s32 $_size__tile_overlayer_lowered;
	s6 =	simm.s32 $_tile_overlayer_lowered  }
0x9b: {  	s22 =	simm.s32 $0x1BFF;
	s21 =	sshll.u32 s6, $0x1;
	s3 =	sadd.s32 s4, s19  }
0x9c: {  	s7 =	simm.s32 $0x0;
	s20 =	sshll.u32 s5, $0x1;
	s5 =	sadd.s32 s21, s3  }
0x9d: {  	[timem:s7], [sflag:s22] =	dma.local [hbm:s5], s20  }
0x9e: {  	_ =	swait.ge [sflag:s22], s20  }
0x9f: {  	s4 =	ssub.s32 $0x0, s20;
	[sflag:s22] =	ssyncset.done $0x0  }
0xa0: {  	[sflag:s22] =	ssyncadd.s32 s4;
	_ =	sdelay $0x1  }
0xa1: {  	s23 =	simm.s32 $0x1B8B  }
0xa2: {  	_ =	swait.ge [sflag:s23], $0x1  }
0xa3: {  	[sflag:s23] =	ssyncset.done $0x0  }
0xa4: {  	s25 =	simm.s32 $0x1B8E;
	s24 =	sld [smem:$0x3FFE];
	[sflag:s23] =	ssyncadd.s32 $0xFFFFFFFF  }
0xa5: {  	s26 =	simm.s32 $execute0_lowered;
	[smem:$0x3FD2] =	sst s25  }
0xa6: {  	s5 =	sshll.u32 s26, $0x1;
	_ =	strace $0x8000004C;
	[dreg:$0x1] =	wrdreg $0xFFFFFFFF  }
0xa7: {  	s28 =	simm.s32 $_size_execute0_lowered;
	s3 =	sadd.s32 s3, s5;
	[dreg:$0x0] =	wrdreg $0x0  }
0xa8: {  	s5 =	sshll.u32 s28, $0x1;
	[dreg:$0x2] =	wrdreg s3  }
0xa9: {  	[dreg:$0x3] =	wrdreg s5  }
0xaa: {  	[dreg:$0x4] =	wrdreg $0xC0  }
0xab: {  	_ =	task [dreg:s7], $0x5FFFF  }
0xac: {  	[dreg:$0x1] =	wrdreg $0xFFFFFFFF  }
0xad: {  	[dreg:$0x0] =	wrdreg $0x60  }
0xae: {  	[dreg:$0x2] =	wrdreg s24  }
0xaf: {  	[dreg:$0x3] =	wrdreg s2  }
0xb0: {  	[dreg:$0x4] =	wrdreg $0x9  }
0xb1: {  	_ =	task.clear_ibuf [dreg:s7], $0x5FFFF;
	_ =	strace $0x9000004C  }
0xb2: {  	s29 =	simm.s32 $0x9;
	_ =	strace $0x8000004E  }
0xb3: {  	_ =	swait.ge [sflag:s29], $0x1  }
0xb4: {  	[sflag:s29] =	ssyncadd.s32 $0xFFFFFFFF  }
0xb5: {  	_ =	strace $0x9000004E  }
0xb6: {  	_ =	sfence  }
0xb7: {  	s30 =	sld [smem:$0x0];
	_ =	sdelay $0x2  }
0xb8: {  	s31 =	sshll.u32 s1, $0xD;
	s1 =	sshrl.u32 s1, $0x2  }
0xb9: {  	s3 =	sand.u32 $0x4000, s31;
	s1 =	sadd.s32 s1, s30  }
0xba: {  	s0 =	sor.u32 s3, s0;
	s1 =	sshll.u32 s1, $0x11  }
0xbb: {  	s0 =	sor.u32 s1, s0  }
0xbc: {  	s0 =	sadd.s32 $0x8F2B, s0  }
0xbd: {  	[sflag:s0] =	ssyncadd.remote.s32 $0x1  }
0xbe: {  	_ =	sfence.sel $0xFFFF  }
0xbf: {  	[dreg:$0x0] =	wrdreg $0xFFFFFFFF;
	(pc) =	sbr.abs _section_cstart, $3  }
0xc0: {  	[dreg:$0x1] =	wrdreg $0xFFFFFFFF  }
0xc1: {  	_ =	task.clear_ibuf [dreg:s7], $0x2FFFF;
	_ =	strace $0x9FFFFFFF  }
0xc2: {  	(tm) =	ssettm $0x7FFFFFFF  }
0xc3: {  	_ =	shalt  }
tec
execute0_lowered:
.L_overlay_start_1:
0x0: {  	(tag) =	ssettag $0x1  }
0x1: {  	s0 =	rddreg [dreg:$0x0]  }
0x2: {  	s1 =	srdreg.scid;
	s3 =	simm.s32 $0x0;
	s2 =	stileid.u32  }
0x3: {  	s14 =	simm.s32 $0x3;
	s16 =	simm.s32 $0x10200;
	s28 =	simm.s32 $0x15A00  }
0x4: {  	s29 =	simm.s32 $0x16200;
	s30 =	simm.s32 $0x16A00;
	s31 =	simm.s32 $0x17200  }
0x5: {  	s15 =	simm.s32 $0x2;
	[smem:$0x7FF] =	sst s3;
	s2 =	sshll.u32 s2, $0x9  }
0x6: {  	s1 =	sand.u32 $0x1, s1;
	s5 =	sadd.s32 $0x341200, s0;
	s10 =	sadd.s32 $0x341300, s0  }
0x7: {  	s11 =	sadd.s32 $0x341400, s0;
	s12 =	sadd.s32 $0x341500, s0;
	s4 =	sshll.u32 s1, $0x8  }
0x8: {  	_ =	strace $0x8000004D;
	s1 =	ssub.s32 $0x2, s1;
	s4 =	sor.u32 s4, s2  }
0x9: {  	s7 =	sshrl.u32 s1, $0x1;
	s2 =	sshrl.u32 s4, $0x3;
	s6 =	sshll.u32 s4, $0x4  }
0xa: {  	s1 =	ssub.s32 s1, s7;
	s8 =	sadd.s32 s0, s2;
	s23 =	sadd.s32 s6, s0  }
0xb: {  	v2 =	vlaneseq.u32;
	s26 =	smax.u32 s1, $0x1;
	s0 =	simm.s32 $0x17A00;
	[dreg:$0x3] =	wrdreg s8  }
0xc: {  	v0 =	vand.u32 $0x7, v2;
	v1 =	vshrl.u32 v2, $0x3;
	s1 =	simm.s32 $0x1;
	s24 =	sadd.s32 $0x400, s8;
	[dreg:$0x7] =	wrdreg s26  }
0xd: {  	v63 =	vor.u32 $0x8, v2;
	[tilespmem:$0x1FFD0] =	vst v0;
	v62 =	vmul.u32 $0x8, v1;
	s6 =	simm.s32 $0x0;
	s25 =	sadd.s32 $0x20800, s23;
	[dreg:$0x4] =	wrdreg s24  }
0xe: {  	[tilespmem:$0x1FFF0] =	vst v63;
	s2 =	sadd.s32 $0x800, s23;
	s26 =	simm.s32 $0x15200;
	[dreg:$0x5] =	wrdreg s25  }
0xf: {  	vm0 =	vmmov $0xffff;
	[tilespmem:$0x1FFE0] =	vst v62;
	[dreg:$0x6] =	wrdreg s2;
	s24 =	simm.s32 $0x14200;
	s25 =	simm.s32 $0x14A00  }
.LBB2_1:
0x10: {  	[dreg:$0x8] =	wrdreg s6  }
0x11: {  	s2 =	rddreg [dreg:$0x4]  }
0x12: {  	[tilespmem:s3], [sflag:$0x3] =	stream.linear.gather [hbm4b:s2+s3], $0x100, $0x38;
	[tilespmem:$0x18200] =	vst v63  }
0x13: {  	_ =	swait.ge [sflag:s14], $0x100  }
0x14: {  	[sflag:s14] =	ssyncset.done $0x0  }
0x15: {  	s21 =	simm.s32 $0x100;
	s20 =	rddreg [dreg:$0x3];
	[sflag:s14] =	ssyncadd.s32 $0xFFFFFF00  }
0x16: {  	[tilespmem:s21], [sflag:$0x3] =	stream.linear.gather [hbm4b:s20+s3], $0x100, $0x38;
	[tilespmem:$0x18200] =	vst v63  }
0x17: {  	_ =	swait.ge [sflag:s14], $0x100  }
0x18: {  	[sflag:s14] =	ssyncset.done $0x0  }
0x19: {  	s18 =	simm.s32 $0x200;
	s22 =	rddreg [dreg:$0x5];
	[sflag:s14] =	ssyncadd.s32 $0xFFFFFF00  }
0x1a: {  	[tilespmem:s18], [sflag:$0x3] =	stream.linear.gather [hbm4b:s22+s3], $0x8000, $0x38;
	[tilespmem:$0x18200] =	vst v63  }
0x1b: {  	_ =	swait.ge [sflag:s14], $0x8000  }
0x1c: {  	[sflag:s14] =	ssyncset.done $0x0  }
0x1d: {  	s17 =	simm.s32 $0x8200;
	s23 =	rddreg [dreg:$0x6];
	[sflag:s14] =	ssyncadd.s32 $0xFFFF8000  }
0x1e: {  	[tilespmem:s17], [sflag:$0x3] =	stream.linear.gather [hbm4b:s23+s3], $0x8000, $0x38;
	[tilespmem:$0x18200] =	vst v63  }
0x1f: {  	_ =	swait.ge [sflag:s14], $0x8000  }
0x20: {  	[sflag:s14] =	ssyncset.done $0x0  }
0x21: {  	s13 =	simm.s32 $0x0;
	[sflag:s14] =	ssyncadd.s32 $0xFFFF8000  }
.LBB2_2:
0x22: {  	s6 =	sshll.u32 s13, $0x4  }
0x23: {  	v3 =	vld [tilespmem:s6+$0x0];
	_ =	sdelay $0x2  }
0x24: {  	v0 =	vld [tilespmem:$0x1FFD0];
	_ =	sdelay $0x1  }
0x25: {  	v1 =	vld [tilespmem:$0x1FFE0];
	v4 =	vshll.u32 v3, $0x3  }
0x26: {  	v3 =	vand.u32 $0x7, v3;
	v4 =	vand.u32 $0xFFFFFFC0, v4  }
0x27: {  	v3 =	vor.u32 v3, v4  }
0x28: {  	v4 =	vperm.xlane v3, v0;
	_ =	sdelay $0x1  }
0x29: {  	v4 =	vadd.s32 v1, v4  }
0x2a: {  	v2 =	vld [tilespmem:$0x1FFF0];
	_ =	sdelay $0x2  }
0x2b: {  	s7 =	simm.s32 $0x0  }
0x2c: {  	[tilespmem:s16], [sflag:$0x1] =	stream.indirect_vreg.gather [hbm4b:s5+s7], $0x80, v4, vm0, $0xb8;
	[tilespmem:$0x18200] =	vst v63  }
0x2d: {  	s2 =	simm.s32 $0x10A00;
	v3 =	vperm.xlane v3, v2  }
0x2e: {  	[tilespmem:s2], [sflag:$0x1] =	stream.indirect_vreg.gather [hbm4b:s10+s7], $0x80, v4, vm0, $0xb8;
	[tilespmem:$0x18200] =	vst v63  }
0x2f: {  	s9 =	simm.s32 $0x11200;
	v3 =	vadd.s32 v1, v3  }
0x30: {  	[tilespmem:s9], [sflag:$0x1] =	stream.indirect_vreg.gather [hbm4b:s11+s7], $0x80, v4, vm0, $0xb8;
	[tilespmem:$0x18200] =	vst v63  }
0x31: {  	s19 =	simm.s32 $0x11A00  }
0x32: {  	[tilespmem:s19], [sflag:$0x1] =	stream.indirect_vreg.gather [hbm4b:s12+s7], $0x80, v4, vm0, $0xb8;
	[tilespmem:$0x18200] =	vst v63  }
0x33: {  	s20 =	simm.s32 $0x12200  }
0x34: {  	[tilespmem:s20], [sflag:$0x1] =	stream.indirect_vreg.gather [hbm4b:s5+s7], $0x80, v3, vm0, $0xb8;
	[tilespmem:$0x18200] =	vst v63  }
0x35: {  	s21 =	simm.s32 $0x12A00  }
0x36: {  	[tilespmem:s21], [sflag:$0x1] =	stream.indirect_vreg.gather [hbm4b:s10+s7], $0x80, v3, vm0, $0xb8;
	[tilespmem:$0x18200] =	vst v63  }
0x37: {  	s22 =	simm.s32 $0x13200  }
0x38: {  	[tilespmem:s22], [sflag:$0x1] =	stream.indirect_vreg.gather [hbm4b:s11+s7], $0x80, v3, vm0, $0xb8;
	[tilespmem:$0x18200] =	vst v63  }
0x39: {  	s23 =	simm.s32 $0x13A00  }
0x3a: {  	[tilespmem:s23], [sflag:$0x1] =	stream.indirect_vreg.gather [hbm4b:s12+s7], $0x80, v3, vm0, $0xb8;
	[tilespmem:$0x18200] =	vst v63  }
0x3b: {  	v3 =	vld [tilespmem:s6+$0x100];
	_ =	sdelay $0x4  }
0x3c: {  	v63 =	vshll.u32 v3, $0x3  }
0x3d: {  	v3 =	vand.u32 $0x7, v3;
	v4 =	vand.u32 $0xFFFFFFC0, v63  }
0x3e: {  	v3 =	vor.u32 v3, v4  }
0x3f: {  	v4 =	vperm.xlane v3, v0;
	_ =	sdelay $0x1  }
0x40: {  	v4 =	vadd.s32 v1, v4;
	_ =	sdelay $0x4  }
0x41: {  	[tilespmem:s24], [sflag:$0x2] =	stream.indirect_vreg.gather [hbm4b:s5+s7], $0x80, v4, vm0, $0xb8;
	[tilespmem:$0x18200] =	vst v63  }
0x42: {  	v3 =	vperm.xlane v3, v2  }
0x43: {  	[tilespmem:s25], [sflag:$0x2] =	stream.indirect_vreg.gather [hbm4b:s10+s7], $0x80, v4, vm0, $0xb8;
	[tilespmem:$0x18200] =	vst v63  }
0x44: {  	v3 =	vadd.s32 v1, v3  }
0x45: {  	[tilespmem:s26], [sflag:$0x2] =	stream.indirect_vreg.gather [hbm4b:s11+s7], $0x80, v4, vm0, $0xb8;
	[tilespmem:$0x18200] =	vst v63  }
0x46: {  	_ = 	snop  }
0x47: {  	[tilespmem:s28], [sflag:$0x2] =	stream.indirect_vreg.gather [hbm4b:s12+s7], $0x80, v4, vm0, $0xb8;
	[tilespmem:$0x18200] =	vst v63  }
0x48: {  	_ = 	snop  }
0x49: {  	[tilespmem:s29], [sflag:$0x2] =	stream.indirect_vreg.gather [hbm4b:s5+s7], $0x80, v3, vm0, $0xb8;
	[tilespmem:$0x18200] =	vst v63  }
0x4a: {  	_ = 	snop  }
0x4b: {  	[tilespmem:s30], [sflag:$0x2] =	stream.indirect_vreg.gather [hbm4b:s10+s7], $0x80, v3, vm0, $0xb8;
	[tilespmem:$0x18200] =	vst v63  }
0x4c: {  	_ = 	snop  }
0x4d: {  	[tilespmem:s31], [sflag:$0x2] =	stream.indirect_vreg.gather [hbm4b:s11+s7], $0x80, v3, vm0, $0xb8;
	[tilespmem:$0x18200] =	vst v63  }
0x4e: {  	_ = 	snop  }
0x4f: {  	[tilespmem:s0], [sflag:$0x2] =	stream.indirect_vreg.gather [hbm4b:s12+s7], $0x80, v3, vm0, $0xb8;
	[tilespmem:$0x18200] =	vst v63  }
0x50: {  	_ =	swait.ge [sflag:s1], $0x4000  }
0x51: {  	[sflag:s1] =	ssyncset.done $0x0  }
0x52: {  	[sflag:s1] =	ssyncadd.s32 $0xFFFFC000  }
0x53: {  	s8 =	smov.u32 s18;
	_ =	swait.ge [sflag:s15], $0x4000  }
0x54: {  	s2 =	simm.s32 $0xFFFFC000;
	s9 =	smov.u32 s17;
	[sflag:s15] =	ssyncset.done $0x0  }
0x55: {  	s19 =	simm.s32 $0x0;
	s20 =	simm.s32 $0x0;
	[sflag:s15] =	ssyncadd.s32 $0xFFFFC000  }
.LBB2_3:
0x56: {  	s21 =	sadd.s32 $0x4000, s2  }
0x57: {  	v3 =	vld [tilespmem:s8+$0x0];
	s22 =	sand.u32 $0x380, s20;
	s21 =	sand.u32 $0x2000, s21  }
0x58: {  	v4 =	vld [tilespmem:s9+$0x0];
	s21 =	sor.u32 s22, s21  }
0x59: {  	v6 =	vld [tilespmem:s21+$0x10200]  }
0x5a: {  	v7 =	vld [tilespmem:s21+$0x14200]  }
0x5b: {  	v10 =	vld [tilespmem:s21+$0x10210]  }
0x5c: {  	v11 =	vld [tilespmem:s21+$0x14210]  }
0x5d: {  	v14 =	vld [tilespmem:s21+$0x10220]  }
0x5e: {  	v17 =	vld [tilespmem:s21+$0x14220]  }
0x5f: {  	v20 =	vld [tilespmem:s21+$0x10230]  }
0x60: {  	v21 =	vld [tilespmem:s21+$0x14230]  }
0x61: {  	v26 =	vld [tilespmem:s21+$0x10240]  }
0x62: {  	v27 =	vld [tilespmem:s21+$0x14240]  }
0x63: {  	v28 =	vld [tilespmem:s21+$0x10250]  }
0x64: {  	v29 =	vld [tilespmem:s21+$0x14250]  }
0x65: {  	v30 =	vld [tilespmem:s21+$0x10260]  }
0x66: {  	v31 =	vld [tilespmem:s21+$0x14260]  }
0x67: {  	v32 =	vld [tilespmem:s21+$0x10270]  }
0x68: {  	v33 =	vld [tilespmem:s21+$0x14270]  }
0x69: {  	v34 =	vld [tilespmem:s21+$0x10600]  }
0x6a: {  	v35 =	vld [tilespmem:s21+$0x14600]  }
0x6b: {  	v36 =	vld [tilespmem:s21+$0x10610]  }
0x6c: {  	v37 =	vld [tilespmem:s21+$0x14610]  }
0x6d: {  	v38 =	vld [tilespmem:s21+$0x10620]  }
0x6e: {  	v39 =	vld [tilespmem:s21+$0x14620]  }
0x6f: {  	v40 =	vld [tilespmem:s21+$0x10630]  }
0x70: {  	v41 =	vld [tilespmem:s21+$0x14630]  }
0x71: {  	v42 =	vld [tilespmem:s21+$0x10640]  }
0x72: {  	v43 =	vld [tilespmem:s21+$0x14640]  }
0x73: {  	v44 =	vld [tilespmem:s21+$0x10650]  }
0x74: {  	v45 =	vld [tilespmem:s21+$0x14650]  }
0x75: {  	v46 =	vld [tilespmem:s21+$0x10660]  }
0x76: {  	v47 =	vld [tilespmem:s21+$0x14660]  }
0x77: {  	v48 =	vld [tilespmem:s21+$0x10670]  }
0x78: {  	v49 =	vld [tilespmem:s21+$0x14670]  }
0x79: {  	v50 =	vld [tilespmem:s21+$0x10A00]  }
0x7a: {  	v51 =	vld [tilespmem:s21+$0x14A00]  }
0x7b: {  	v52 =	vld [tilespmem:s21+$0x10A10]  }
0x7c: {  	v53 =	vld [tilespmem:s21+$0x14A10]  }
0x7d: {  	v54 =	vld [tilespmem:s21+$0x10A20]  }
0x7e: {  	v55 =	vld [tilespmem:s21+$0x14A20]  }
0x7f: {  	v56 =	vld [tilespmem:s21+$0x10A30]  }
0x80: {  	v57 =	vld [tilespmem:s21+$0x14A30]  }
0x81: {  	v58 =	vld [tilespmem:s21+$0x10A40]  }
0x82: {  	v59 =	vld [tilespmem:s21+$0x14A40]  }
0x83: {  	v60 =	vld [tilespmem:s21+$0x10A50]  }
0x84: {  	v61 =	vld [tilespmem:s21+$0x14A50]  }
0x85: {  	v62 =	vld [tilespmem:s21+$0x10A60]  }
0x86: {  	v63 =	vld [tilespmem:s21+$0x14A60]  }
0x87: {  	v5 =	vld [tilespmem:s21+$0x10A70]  }
0x88: {  	v2 =	vld [tilespmem:s21+$0x14A70]  }
0x89: {  	v24 =	vld [tilespmem:s21+$0x10E00]  }
0x8a: {  	v25 =	vld [tilespmem:s21+$0x14E00]  }
0x8b: {  	v22 =	vld [tilespmem:s21+$0x10E10]  }
0x8c: {  	v23 =	vld [tilespmem:s21+$0x14E10]  }
0x8d: {  	v18 =	vld [tilespmem:s21+$0x10E20]  }
0x8e: {  	v0 =	vld [tilespmem:s21+$0x10E60]  }
0x8f: {  	v19 =	vld [tilespmem:s21+$0x14E20]  }
0x90: {  	v15 =	vld [tilespmem:s21+$0x10E30]  }
0x91: {  	v16 =	vld [tilespmem:s21+$0x14E30]  }
0x92: {  	v12 =	vld [tilespmem:s21+$0x10E40];
	v1 =	vmul.f32 v6, v3  }
0x93: {  	v13 =	vld [tilespmem:s21+$0x14E40];
	[tilespmem:$0x1FFC0] =	vst v0;
	v0 =	vmul.f32 v7, v4;
	v10 =	vmul.f32 v10, v3  }
0x94: {  	v8 =	vld [tilespmem:s21+$0x10E50];
	v11 =	vmul.f32 v11, v4;
	v14 =	vmul.f32 v14, v3  }
0x95: {  	v9 =	vld [tilespmem:s21+$0x14E50];
	v17 =	vmul.f32 v17, v4;
	v20 =	vmul.f32 v20, v3  }
0x96: {  	v7 =	vld [tilespmem:s21+$0x14E60];
	v21 =	vmul.f32 v21, v4;
	v26 =	vmul.f32 v26, v3  }
0x97: {  	v6 =	vld [tilespmem:s21+$0x10E70];
	v27 =	vmul.f32 v27, v4;
	v34 =	vmul.f32 v34, v3  }
0x98: {  	v35 =	vmul.f32 v35, v4;
	v38 =	vmul.f32 v38, v3;
	v1 =	vadd.f32 v0, v1;
	v0 =	vld [tilespmem:s21+$0x14E70]  }
0x99: {  	v39 =	vmul.f32 v39, v4;
	v40 =	vmul.f32 v40, v3;
	v10 =	vadd.f32 v11, v10;
	v11 =	vld [tilespmem:s21+$0x11200]  }
0x9a: {  	v5 =	vmul.f32 v5, v3;
	v2 =	vmul.f32 v2, v4;
	[tilespmem:s21+$0x10200] =	vst v1;
	v1 =	vadd.f32 v17, v14;
	v14 =	vld [tilespmem:s21+$0x15200]  }
0x9b: {  	[tilespmem:s21+$0x10210] =	vst v10;
	v10 =	vadd.f32 v21, v20;
	v21 =	vmul.f32 v28, v3;
	v28 =	vmul.f32 v29, v4;
	v17 =	vld [tilespmem:s21+$0x11210]  }
0x9c: {  	v52 =	vmul.f32 v52, v3;
	v2 =	vadd.f32 v2, v5;
	v20 =	vld [tilespmem:s21+$0x15210];
	v29 =	vmul.f32 v33, v4;
	[tilespmem:s21+$0x10220] =	vst v1  }
0x9d: {  	v1 =	vadd.f32 v27, v26;
	v26 =	vmul.f32 v30, v3;
	[tilespmem:s21+$0x10230] =	vst v10;
	v10 =	vadd.f32 v28, v21;
	v21 =	vld [tilespmem:s21+$0x11220]  }
0x9e: {  	v27 =	vmul.f32 v31, v4;
	v28 =	vmul.f32 v32, v3;
	v31 =	vld [tilespmem:s21+$0x11230]  }
0x9f: {  	v24 =	vmul.f32 v24, v3;
	v25 =	vmul.f32 v25, v4;
	[tilespmem:s21+$0x10A70] =	vst v2;
	v32 =	vld [tilespmem:s21+$0x15230]  }
0xa0: {  	v18 =	vmul.f32 v18, v3;
	v33 =	vadd.f32 v27, v26;
	v26 =	vld [tilespmem:s21+$0x15220];
	[tilespmem:s21+$0x10250] =	vst v10;
	v10 =	vadd.f32 v29, v28  }
0xa1: {  	[tilespmem:s21+$0x10240] =	vst v1;
	v28 =	vmul.f32 v36, v3;
	v36 =	vmul.f32 v37, v4;
	v37 =	vadd.f32 v35, v34;
	v34 =	vld [tilespmem:s21+$0x15240]  }
0xa2: {  	v19 =	vmul.f32 v19, v4;
	v12 =	vmul.f32 v12, v3;
	v35 =	vld [tilespmem:s21+$0x11250];
	[tilespmem:s21+$0x10260] =	vst v33  }
0xa3: {  	v13 =	vmul.f32 v13, v4;
	v27 =	vld [tilespmem:s21+$0x15620];
	v29 =	vadd.f32 v25, v24;
	[tilespmem:s21+$0x10270] =	vst v10;
	v10 =	vadd.f32 v36, v28  }
0xa4: {  	v36 =	vmul.f32 v41, v4;
	v33 =	vld [tilespmem:s21+$0x11240];
	[tilespmem:s21+$0x10600] =	vst v37;
	v37 =	vadd.f32 v39, v38;
	v38 =	vmul.f32 v42, v3  }
0xa5: {  	v39 =	vmul.f32 v43, v4;
	v41 =	vmul.f32 v45, v4;
	v28 =	vld [tilespmem:s21+$0x11620];
	[tilespmem:s21+$0x10E00] =	vst v29  }
0xa6: {  	v43 =	vmul.f32 v46, v3;
	[tilespmem:s21+$0x10610] =	vst v10;
	v10 =	vadd.f32 v36, v40;
	v40 =	vmul.f32 v44, v3;
	v36 =	vld [tilespmem:s21+$0x15250]  }
0xa7: {  	v46 =	vmul.f32 v48, v3;
	[tilespmem:s21+$0x10620] =	vst v37;
	v42 =	vadd.f32 v39, v38;
	v44 =	vmul.f32 v47, v4;
	v37 =	vld [tilespmem:s21+$0x11260]  }
0xa8: {  	v47 =	vmul.f32 v49, v4;
	v49 =	vmul.f32 v50, v3;
	v38 =	vld [tilespmem:s21+$0x15260];
	[tilespmem:s21+$0x10630] =	vst v10;
	v45 =	vadd.f32 v41, v40  }
0xa9: {  	v50 =	vmul.f32 v51, v4;
	v39 =	vld [tilespmem:s21+$0x11270];
	[tilespmem:s21+$0x10640] =	vst v42;
	v48 =	vadd.f32 v44, v43;
	v44 =	vmul.f32 v53, v4  }
0xaa: {  	v51 =	vadd.f32 v47, v46;
	v46 =	vmul.f32 v54, v3;
	v47 =	vmul.f32 v55, v4;
	v40 =	vld [tilespmem:s21+$0x15270];
	[tilespmem:s21+$0x10650] =	vst v45  }
0xab: {  	v41 =	vld [tilespmem:s21+$0x11600];
	v53 =	vmul.f32 v59, v4;
	v55 =	vmul.f32 v60, v3;
	[tilespmem:s21+$0x10660] =	vst v48;
	v45 =	vadd.f32 v50, v49  }
0xac: {  	v42 =	vld [tilespmem:s21+$0x15600];
	v59 =	vmul.f32 v63, v4;
	v63 =	vmul.f32 v23, v4;
	[tilespmem:s21+$0x10670] =	vst v51;
	v48 =	vadd.f32 v44, v52  }
0xad: {  	v43 =	vld [tilespmem:s21+$0x11610];
	v49 =	vmul.f32 v56, v3;
	v50 =	vmul.f32 v57, v4;
	v51 =	vadd.f32 v47, v46;
	[tilespmem:s21+$0x10A00] =	vst v45  }
0xae: {  	v23 =	vld [tilespmem:s21+$0x15630];
	v25 =	vmul.f32 v33, v3;
	v52 =	vmul.f32 v58, v3;
	v47 =	vadd.f32 v19, v18;
	[tilespmem:s21+$0x10A10] =	vst v48  }
0xaf: {  	v56 =	vmul.f32 v61, v4;
	v58 =	vmul.f32 v62, v3;
	v44 =	vld [tilespmem:s21+$0x15610];
	v54 =	vadd.f32 v50, v49;
	[tilespmem:s21+$0x10A20] =	vst v51  }
0xb0: {  	v62 =	vmul.f32 v22, v3;
	v22 =	vld [tilespmem:s21+$0x11630];
	v46 =	vmul.f32 v16, v4;
	v57 =	vadd.f32 v53, v52;
	[tilespmem:s21+$0x10E20] =	vst v47  }
0xb1: {  	v16 =	vld [tilespmem:s21+$0x15640];
	v33 =	vmul.f32 v37, v3;
	v60 =	vadd.f32 v56, v55;
	v45 =	vmul.f32 v15, v3;
	[tilespmem:s21+$0x10A30] =	vst v54  }
0xb2: {  	v18 =	vld [tilespmem:s21+$0x11A10];
	v61 =	vadd.f32 v59, v58;
	v49 =	vmul.f32 v8, v3;
	v50 =	vmul.f32 v9, v4;
	[tilespmem:s21+$0x10A40] =	vst v57  }
0xb3: {  	v19 =	vld [tilespmem:s21+$0x15A10];
	v30 =	vadd.f32 v63, v62;
	v56 =	vmul.f32 v11, v3;
	v58 =	vmul.f32 v17, v3;
	[tilespmem:s21+$0x10A50] =	vst v60  }
0xb4: {  	v15 =	vld [tilespmem:s21+$0x11640];
	v51 =	vadd.f32 v13, v12;
	v59 =	vmul.f32 v20, v4;
	v62 =	vmul.f32 v26, v4;
	[tilespmem:s21+$0x10A60] =	vst v61  }
0xb5: {  	v9 =	vld [tilespmem:s21+$0x11650];
	v20 =	vmul.f32 v31, v3;
	v26 =	vmul.f32 v34, v4;
	[tilespmem:s21+$0x10E10] =	vst v30;
	v48 =	vadd.f32 v46, v45  }
0xb6: {  	v52 =	vld [tilespmem:$0x1FFC0];
	v31 =	vmul.f32 v36, v4;
	v34 =	vmul.f32 v38, v4;
	v53 =	vadd.f32 v50, v49;
	[tilespmem:s21+$0x10E40] =	vst v51  }
0xb7: {  	v12 =	vld [tilespmem:s21+$0x15650];
	v36 =	vmul.f32 v39, v3;
	v37 =	vmul.f32 v40, v4;
	v63 =	vadd.f32 v59, v58;
	[tilespmem:s21+$0x10E30] =	vst v48  }
0xb8: {  	v11 =	vld [tilespmem:s21+$0x11670];
	v61 =	vmul.f32 v21, v3;
	v21 =	vmul.f32 v32, v4;
	v32 =	vadd.f32 v26, v25;
	[tilespmem:s21+$0x10E50] =	vst v53  }
0xb9: {  	v13 =	vld [tilespmem:s21+$0x15670];
	v39 =	vmul.f32 v41, v3;
	v40 =	vmul.f32 v42, v4;
	v38 =	vadd.f32 v34, v33;
	[tilespmem:s21+$0x11210] =	vst v63  }
0xba: {  	v0 =	vmul.f32 v0, v4;
	v17 =	vld [tilespmem:s21+$0x15A00];
	v54 =	vmul.f32 v6, v3;
	v42 =	vadd.f32 v37, v36;
	[tilespmem:s21+$0x11240] =	vst v32  }
0xbb: {  	v41 =	vld [tilespmem:s21+$0x15A20];
	v57 =	vmul.f32 v14, v4;
	v47 =	vadd.f32 v40, v39;
	[tilespmem:s21+$0x11260] =	vst v38  }
0xbc: {  	v6 =	vld [tilespmem:s21+$0x11660];
	v0 =	vadd.f32 v0, v54;
	[tilespmem:s21+$0x11270] =	vst v42  }
0xbd: {  	v14 =	vld [tilespmem:s21+$0x11A00];
	v60 =	vadd.f32 v57, v56;
	[tilespmem:s21+$0x11600] =	vst v47  }
0xbe: {  	v7 =	vmul.f32 v7, v4;
	v30 =	vmul.f32 v35, v3;
	v46 =	vld [tilespmem:s21+$0x11A30];
	v24 =	vadd.f32 v62, v61;
	[tilespmem:s21+$0x10E70] =	vst v0  }
0xbf: {  	v43 =	vmul.f32 v43, v3;
	v50 =	vld [tilespmem:s21+$0x15A30];
	v45 =	vmul.f32 v44, v4;
	v29 =	vadd.f32 v21, v20;
	[tilespmem:s21+$0x11200] =	vst v60  }
0xc0: {  	v49 =	vmul.f32 v27, v4;
	v58 =	vld [tilespmem:s21+$0x11A50];
	v35 =	vadd.f32 v31, v30;
	v10 =	vmul.f32 v52, v3;
	[tilespmem:s21+$0x11220] =	vst v24  }
0xc1: {  	v36 =	vld [tilespmem:s21+$0x15A70];
	v53 =	vmul.f32 v23, v4;
	v51 =	vadd.f32 v45, v43;
	v52 =	vmul.f32 v22, v3;
	[tilespmem:s21+$0x11230] =	vst v29  }
0xc2: {  	v40 =	vld [tilespmem:s21+$0x15A40];
	v57 =	vmul.f32 v16, v4;
	v56 =	vmul.f32 v15, v3;
	[tilespmem:s21+$0x11250] =	vst v35;
	v55 =	vadd.f32 v7, v10  }
0xc3: {  	v20 =	vld [tilespmem:s21+$0x11A20];
	v26 =	vmul.f32 v11, v3;
	v27 =	vmul.f32 v13, v4;
	[tilespmem:s21+$0x11610] =	vst v51;
	v59 =	vadd.f32 v53, v52  }
0xc4: {  	v62 =	vld [tilespmem:s21+$0x15A50];
	v61 =	vmul.f32 v12, v4;
	v60 =	vmul.f32 v9, v3;
	v63 =	vadd.f32 v57, v56;
	[tilespmem:s21+$0x10E60] =	vst v55  }
0xc5: {  	v34 =	vmul.f32 v18, v3;
	v16 =	vld [tilespmem:s21+$0x11A60];
	v35 =	vmul.f32 v19, v4;
	v33 =	vadd.f32 v27, v26;
	[tilespmem:s21+$0x11630] =	vst v59  }
0xc6: {  	v48 =	vmul.f32 v28, v3;
	v28 =	vld [tilespmem:s21+$0x15A60];
	v31 =	vmul.f32 v17, v4;
	v23 =	vadd.f32 v61, v60;
	[tilespmem:s21+$0x11640] =	vst v63  }
0xc7: {  	v32 =	vld [tilespmem:s21+$0x11A70];
	v39 =	vmul.f32 v41, v4;
	v30 =	vmul.f32 v14, v3;
	v41 =	vadd.f32 v35, v34;
	[tilespmem:s21+$0x11670] =	vst v33  }
0xc8: {  	v10 =	vld [tilespmem:s21+$0x15660];
	v42 =	vmul.f32 v46, v3;
	v43 =	vmul.f32 v50, v4;
	v55 =	vadd.f32 v49, v48;
	[tilespmem:s21+$0x11650] =	vst v23  }
0xc9: {  	v54 =	vld [tilespmem:s21+$0x11A40];
	v37 =	vadd.f32 v31, v30;
	v38 =	vmul.f32 v20, v3;
	[tilespmem:s21+$0x11A10] =	vst v41  }
0xca: {  	v45 =	vmul.f32 v58, v3;
	v46 =	vmul.f32 v62, v4;
	v47 =	vadd.f32 v43, v42;
	[tilespmem:s21+$0x11620] =	vst v55  }
0xcb: {  	v48 =	vmul.f32 v16, v3;
	v49 =	vmul.f32 v28, v4;
	[tilespmem:s21+$0x11A00] =	vst v37;
	v44 =	vadd.f32 v39, v38  }
0xcc: {  	v52 =	vmul.f32 v36, v4;
	v51 =	vmul.f32 v32, v3;
	v50 =	vadd.f32 v46, v45;
	[tilespmem:s21+$0x11A30] =	vst v47  }
0xcd: {  	v6 =	vmul.f32 v6, v3;
	v53 =	vadd.f32 v49, v48;
	v12 =	vmul.f32 v10, v4;
	[tilespmem:s21+$0x11A20] =	vst v44  }
0xce: {  	s23 =	sand.u32 $0x7, s7;
	v54 =	vmul.f32 v54, v3;
	v55 =	vmul.f32 v40, v4;
	v56 =	vadd.f32 v52, v51;
	[tilespmem:s21+$0x11A50] =	vst v50  }
0xcf: {  	s22 =	sshll.u32 s23, $0x7;
	[tilespmem:s21+$0x11A60] =	vst v53;
	v29 =	vadd.f32 v12, v6  }
0xd0: {  	s22 =	sadd.s32 s22, s19;
	v2 =	vadd.f32 v55, v54;
	[tilespmem:s21+$0x11A70] =	vst v56  }
0xd1: {  	s23 =	sor.u32 $0x1C00, s22;
	[tilespmem:s21+$0x11660] =	vst v29  }
0xd2: {  	[tilespmem:s21+$0x11A40] =	vst v2;
	v0 =	vld [tilespmem:s23+$0x10200]  }
0xd3: {  	v1 =	vld [tilespmem:s23+$0x14200];
	_ =	sdelay $0x4  }
0xd4: {  	v0 =	vmul.f32 v0, v3;
	v1 =	vmul.f32 v1, v4;
	_ =	sdelay $0x1  }
0xd5: {  	v0 =	vadd.f32 v1, v0;
	_ =	sdelay $0x1  }
0xd6: {  	[tilespmem:s23+$0x10200] =	vst v0;
	s23 =	sor.u32 $0x1C10, s22  }
0xd7: {  	v0 =	vld [tilespmem:s23+$0x10200]  }
0xd8: {  	v57 =	vld [tilespmem:s23+$0x14200];
	_ =	sdelay $0x4  }
0xd9: {  	v0 =	vmul.f32 v0, v3;
	v1 =	vmul.f32 v57, v4;
	_ =	sdelay $0x1  }
0xda: {  	v0 =	vadd.f32 v1, v0;
	_ =	sdelay $0x1  }
0xdb: {  	[tilespmem:s23+$0x10200] =	vst v0;
	s23 =	sor.u32 $0x1C20, s22  }
0xdc: {  	v0 =	vld [tilespmem:s23+$0x10200]  }
0xdd: {  	v58 =	vld [tilespmem:s23+$0x14200];
	_ =	sdelay $0x4  }
0xde: {  	v0 =	vmul.f32 v0, v3;
	v1 =	vmul.f32 v58, v4;
	_ =	sdelay $0x1  }
0xdf: {  	v0 =	vadd.f32 v1, v0;
	_ =	sdelay $0x1  }
0xe0: {  	[tilespmem:s23+$0x10200] =	vst v0;
	s23 =	sor.u32 $0x1C30, s22  }
0xe1: {  	v0 =	vld [tilespmem:s23+$0x10200]  }
0xe2: {  	v59 =	vld [tilespmem:s23+$0x14200];
	_ =	sdelay $0x4  }
0xe3: {  	v0 =	vmul.f32 v0, v3;
	v1 =	vmul.f32 v59, v4;
	_ =	sdelay $0x1  }
0xe4: {  	v0 =	vadd.f32 v1, v0;
	_ =	sdelay $0x1  }
0xe5: {  	[tilespmem:s23+$0x10200] =	vst v0;
	s23 =	sor.u32 $0x1C40, s22  }
0xe6: {  	v0 =	vld [tilespmem:s23+$0x10200]  }
0xe7: {  	v60 =	vld [tilespmem:s23+$0x14200];
	_ =	sdelay $0x4  }
0xe8: {  	v0 =	vmul.f32 v0, v3;
	v1 =	vmul.f32 v60, v4;
	_ =	sdelay $0x1  }
0xe9: {  	v0 =	vadd.f32 v1, v0;
	_ =	sdelay $0x1  }
0xea: {  	[tilespmem:s23+$0x10200] =	vst v0;
	s23 =	sor.u32 $0x1C50, s22  }
0xeb: {  	v0 =	vld [tilespmem:s23+$0x10200]  }
0xec: {  	v61 =	vld [tilespmem:s23+$0x14200];
	_ =	sdelay $0x4  }
0xed: {  	v0 =	vmul.f32 v0, v3;
	v1 =	vmul.f32 v61, v4;
	_ =	sdelay $0x1  }
0xee: {  	v0 =	vadd.f32 v1, v0;
	_ =	sdelay $0x1  }
0xef: {  	[tilespmem:s23+$0x10200] =	vst v0;
	s23 =	sor.u32 $0x1C60, s22  }
0xf0: {  	v0 =	vld [tilespmem:s23+$0x10200]  }
0xf1: {  	v62 =	vld [tilespmem:s23+$0x14200];
	_ =	sdelay $0x4  }
0xf2: {  	v0 =	vmul.f32 v0, v3;
	v1 =	vmul.f32 v62, v4;
	_ =	sdelay $0x1  }
0xf3: {  	v0 =	vadd.f32 v1, v0;
	_ =	sdelay $0x1  }
0xf4: {  	[tilespmem:s23+$0x10200] =	vst v0;
	s23 =	sor.u32 $0x1C70, s22  }
0xf5: {  	v0 =	vld [tilespmem:s23+$0x10200]  }
0xf6: {  	v63 =	vld [tilespmem:s23+$0x14200];
	_ =	sdelay $0x3  }
0xf7: {  	p0 =	sne.s32 s20, $0x780  }
.Ltmp0:
0xf8: {  	v0 =	vmul.f32 v0, v3;
	v1 =	vmul.f32 v63, v4;
	(pc) =	sbr.rel @p0 .LBB2_3-.Ltmp0, $4  }
0xf9: {  	_ = 	snop  }
0xfa: {  	v0 =	vadd.f32 v1, v0  }
0xfb: {  	s7 =	sadd.s32 $0x1, s7;
	s2 =	sadd.s32 $0x400, s2;
	s8 =	sadd.s32 $0x80, s8  }
0xfc: {  	s9 =	sadd.s32 $0x80, s9;
	s20 =	sadd.s32 $0x80, s20;
	s19 =	sadd.s32 $0x400, s19;
	[tilespmem:s23+$0x10200] =	vst v0  }
0xfd: {  	s2 =	sadd.s32 s4, s6;
	s13 =	sadd.s32 $0x1, s13  }
0xfe: {  	s23 =	rddreg [dreg:$0x1];
	s2 =	sshll.u32 s2, $0x7;
	p0 =	sne.s32 s13, $0x10  }
.Ltmp1:
0xff: {  	s2 =	sadd.s32 s23, s2;
	(pc) =	sbr.rel @p0 .LBB2_2-.Ltmp1, $4  }
0x100: {  	[hbm4b:s2+s3] =	stream.linear.scatter [tilespmem:s16], [sflag:$0x3], $0x4000, $0x38;
	[tilespmem:$0x18200] =	vst v63  }
0x101: {  	_ =	swait.ge [sflag:s14], $0x4000  }
0x102: {  	[sflag:s14] =	ssyncset.done $0x0  }
0x103: {  	s18 =	sadd.s32 $0x800, s18;
	s17 =	sadd.s32 $0x800, s17;
	[sflag:s14] =	ssyncadd.s32 $0xFFFFC000  }
0x104: {  	s6 =	rddreg [dreg:$0x8]  }
0x105: {  	s2 =	rddreg [dreg:$0x7];
	s6 =	sadd.s32 $0x1, s6  }
0x106: {  	p0 =	sne.s32 s6, s2  }
.Ltmp2:
0x107: {  	_ = 	snop;
	(pc) =	sbr.rel @p0 .LBB2_1-.Ltmp2, $1  }
0x108: {  	_ =	sdelay $0x3  }
0x109: {  	_ =	sfence.sel $0x180000  }
0x10a: {  	[bflag:$0x0] =	sbarrier.arrive $0xFFFF  }
0x10b: {  	_ =	strace $0x9000004D  }
0x10c: {  	s0 =	stileid.u32;
	[bflag:$0x2] =	sbarrier.arrive $0xFFFF  }
0x10d: {  	p0 =	sne.s32 s0, $0x0;
	s0 =	rddreg [dreg:$0x2]  }
0x10e: {  	s0 =	sadd.s32 @!p0 $0x100000, s0  }
0x10f: {  	[sflag:s0] =	ssyncadd.tile.s32 @!p0 $0x1;
	_ =	shalt  }
.Lfunc_end2:
_tile_overlayer_lowered:
.L_overlay_start_2:
0x110: {  	(tag) =	ssettag $0x2  }
0x111: {  	s0 =	rddreg [dreg:$0x0];
	s2 =	stileid.u32  }
0x112: {  	s1 =	rddreg [dreg:$0x1];
	p0 =	sne.s32 s2, $0x0  }
0x113: {  	s3 =	rddreg [dreg:$0x2];
	[bflag:$0x3] =	sbarrier.arrive $0xFFFF;
	s2 =	simm.s32 @!p0 $0x1C03  }
0x114: {  	[timem:s3], [sflag:s2] =	dma.local @!p0 [hbm:s0], s1  }
0x115: {  	s0 =	simm.s32 @!p0 $0x3  }
0x116: {  	_ =	swait.ge @!p0 [sflag:s0], s1  }
0x117: {  	s1 =	ssub.s32 @!p0 $0x0, s1;
	[sflag:s0] =	ssyncset.done @!p0 $0x0  }
0x118: {  	[sflag:s0] =	ssyncadd.s32 @!p0 s1  }
0x119: {  	[bflag:$0x3] =	sbarrier.arrive $0xFFFF  }
0x11a: {  	_ =	shalt  }

</sc_bundles>
